<compile_context>
chip_gen: v7x
topology: tpu7x:2x2x1
jax: 0.10.2.dev20260603
libtpu: 0.0.44.dev20260713+nightly
codegen_flags: <defaults>
</compile_context>

<pallas_src>
import functools

import jax
import jax.numpy as jnp
from jax import lax
from jax.experimental import pallas as pl
from jax.experimental.pallas import tpu as pltpu
from jax.experimental.pallas import tpu_sc as plsc

N_CODES = 8192
DIM = 32
N_TOKENS = 16384


TM = 2048
NCHUNK = 1024
LANES = 128


def _argmin_body(x_ref, e_ref, idx_ref, en_scr, lanes_scr):
    i = pl.program_id(0)

    @pl.when(i == 0)
    def _():
        lanes_scr[...] = lax.broadcasted_iota(
            jnp.int32, (TM, LANES), 1).astype(jnp.float32)
        for c in range(N_CODES // NCHUNK):
            eblk = e_ref[pl.ds(c * NCHUNK, NCHUNK), :]
            en = jnp.sum(eblk * eblk, axis=1)
            en_scr[pl.ds(0, 1), pl.ds(c * NCHUNK, NCHUNK)] = en.reshape(1, -1)

    x = x_ref[...]
    xs = x * (-2.0)

    acc_v = jnp.full((TM, LANES), jnp.inf, dtype=jnp.float32)
    acc_b = jnp.zeros((TM, LANES), dtype=jnp.float32)
    for c in range(N_CODES // NCHUNK):
        eblk = e_ref[pl.ds(c * NCHUNK, NCHUNK), :]
        en = en_scr[pl.ds(0, 1), pl.ds(c * NCHUNK, NCHUNK)]
        dot = lax.dot_general(xs, eblk, (((1,), (1,)), ((), ())),
                              preferred_element_type=jnp.float32)
        d2 = dot + en
        for g in range(NCHUNK // LANES):
            dsl = d2[:, g * LANES:(g + 1) * LANES]
            upd = dsl < acc_v
            acc_v = jnp.minimum(dsl, acc_v)
            acc_b = jnp.where(upd, float(c * NCHUNK + g * LANES), acc_b)

    idxl = acc_b + lanes_scr[...]
    lmin = jnp.min(acc_v, axis=1)
    lif = jnp.min(jnp.where(acc_v == lmin[:, None], idxl, float(N_CODES)),
                  axis=1)
    idx_ref[...] = lif.astype(jnp.int32).reshape(1, 1, TM)


def _tc_argmin(encoded_flat, embedding):
    grid = N_TOKENS // TM
    out = pl.pallas_call(
        _argmin_body,
        grid=(grid,),
        in_specs=[
            pl.BlockSpec((TM, DIM), lambda i: (i, 0)),
            pl.BlockSpec((N_CODES, DIM), lambda i: (0, 0)),
        ],
        out_specs=pl.BlockSpec((1, 1, TM), lambda i: (i, 0, 0)),
        out_shape=jax.ShapeDtypeStruct((grid, 1, TM), jnp.int32),
        scratch_shapes=[pltpu.VMEM((1, N_CODES), jnp.float32),
                        pltpu.VMEM((TM, LANES), jnp.float32)],
    )(encoded_flat, embedding)
    return out.reshape(N_TOKENS)



_SC_NC, _SC_NS = 2, 16
_NW = _SC_NC * _SC_NS
_CH = 128
_BPW = N_TOKENS // _NW
_NCH = _BPW // _CH


@functools.cache
def _sc_gather_fn():
    @functools.partial(
        pl.kernel,
        out_type=jax.ShapeDtypeStruct((N_TOKENS // _CH, _CH, DIM), jnp.float32),
        mesh=plsc.VectorSubcoreMesh(core_axis_name="c", subcore_axis_name="s"),
        scratch_types=[
            pltpu.VMEM((_NCH, _CH), jnp.int32),
            pltpu.VMEM((_NCH, _CH, DIM), jnp.float32),
            pltpu.SemaphoreType.DMA,
        ],
        compiler_params=pltpu.CompilerParams(use_tc_tiling_on_sc=False),
    )
    def _sc_gather(table_hbm, idx_hbm, out_hbm, idx_v, rows_v, sem):
        wid = lax.axis_index("s") * _SC_NC + lax.axis_index("c")
        base = wid * _NCH
        pltpu.sync_copy(idx_hbm.at[pl.ds(base, _NCH)], idx_v)
        copies = [
            pltpu.async_copy(table_hbm.at[idx_v.at[j]], rows_v.at[j], sem)
            for j in range(_NCH)
        ]
        for cp in copies:
            cp.wait()
        pltpu.sync_copy(rows_v, out_hbm.at[pl.ds(base, _NCH)])

    return _sc_gather



def kernel(z, embedding):
    encoded_permuted = jnp.transpose(z, (0, 2, 3, 1))
    permuted_shape = encoded_permuted.shape
    encoded_flat = encoded_permuted.reshape(-1, DIM)

    codebook_indices = _tc_argmin(encoded_flat, embedding)

    rows = _sc_gather_fn()(embedding, codebook_indices.reshape(N_TOKENS // _CH, _CH))
    quantized_flat = rows.reshape(N_TOKENS, DIM)

    quantized = jnp.transpose(quantized_flat.reshape(permuted_shape), (0, 3, 1, 2))
    return (encoded_flat, quantized_flat, codebook_indices, quantized)

# --- scband reference (transcript-rebuilt; emitter-appended) ---
"""Pipeline reference for scband-codebook-54752243089494 (READ-ONLY COPY).

The authoritative reference and input builder live on the scoring server;
editing this copy changes nothing except your own understanding.
"""

import jax, jax.numpy as jnp
import numpy as np

NUM_EMBEDDINGS = 8192
EMBEDDING_DIM = 32

def setup_inputs(seed: int = 0) -> dict:
    key = jax.random.key(seed)
    k1, k2 = jax.random.split(key)
    z = jax.random.normal(k1, (16, EMBEDDING_DIM, 32, 32), dtype=jnp.float32)
    embedding = jax.random.normal(k2, (NUM_EMBEDDINGS, EMBEDDING_DIM), dtype=jnp.float32)
    return {"z": z, "embedding": embedding}

def reference(z, embedding):
    # _preprocess: permute channels-last then flatten
    encoded_permuted = jnp.transpose(z, (0, 2, 3, 1))
    permuted_shape = encoded_permuted.shape
    encoded_flat = encoded_permuted.reshape(-1, permuted_shape[-1])
    # _quantize: squared L2 distances (cdist**2), argmin, gather
    d2 = (jnp.sum(encoded_flat ** 2, axis=1, keepdims=True)
          - 2.0 * (encoded_flat @ embedding.T)
          + jnp.sum(embedding ** 2, axis=1)[None, :])
    codebook_indices = jnp.argmin(d2, axis=1)
    quantized_flat = jnp.take(embedding, codebook_indices, axis=0)
    # straight-through estimator
    quantized_flat = encoded_flat + jax.lax.stop_gradient(quantized_flat - encoded_flat)
    # _postprocess: reshape back and permute to channels-first
    quantized = jnp.transpose(quantized_flat.reshape(permuted_shape), (0, 3, 1, 2))
    return (encoded_flat, quantized_flat, codebook_indices, quantized)

if __name__ == "__main__":
    import jax
    _d = setup_inputs()
    print(jax.jit(kernel)(*tuple(_d.values())))

</pallas_src>

<mosaic_0001>
#map = affine_map<(d0, d1) -> (0, 0)>
#map1 = affine_map<(d0, d1) -> (0, 0, 0)>
module attributes {stable_mosaic.version = 14 : i64} {
  func.func @_sc_gather(%arg0: i32, %arg1: i32, %arg2: memref<8192x32xf32, #tpu.memory_space<hbm>>, %arg3: memref<128x128xi32, #tpu.memory_space<hbm>>, %arg4: memref<128x128x32xf32, #tpu.memory_space<hbm>>, %arg5: memref<4x128xi32, #tpu.memory_space<vmem>>, %arg6: memref<4x128x32xf32, #tpu.memory_space<vmem>>, %arg7: memref<!tpu.dma_semaphore, #tpu.memory_space<semaphore_mem>>) attributes {dimension_semantics = [#tpu.dimension_semantics<core_parallel>, #tpu.dimension_semantics<subcore_parallel>], iteration_bounds = array<i64: 2, 16>, scalar_prefetch = 0 : i64, scratch_operands = 3 : i64, tpu.core_type = #tpu.core_type<sc_vector_subcore>, window_params = [{transform_indices = #map}, {transform_indices = #map}, {transform_indices = #map1}]} {
    %mul3A = arith.constant 2 : i32
    %mul3A_0 = arith.muli %arg1, %mul3A : i32
    %add3A = arith.addi %mul3A_0, %arg0 : i32
    %mul3A_1 = arith.constant 4 : i32
    %mul3A_2 = arith.muli %add3A, %mul3A_1 : i32
    "tpu.region"() ({
      %run_scoped3A = tpu.sem_alloc : memref<!tpu.dma_semaphore, #tpu.memory_space<semaphore_mem>>
      %dma_start3A_97 = arith.constant 0 : i32
      %dma_start3A_98 = tpu.memref_slice %arg3[%mul3A_2, %dma_start3A_97] : memref<128x128xi32, #tpu.memory_space<hbm>> -> memref<4x128xi32, #tpu.memory_space<hbm>>
      %dma_start3A_99 = arith.constant 0 : i32
      %dma_start3A_100 = tpu.memref_slice %arg3[%mul3A_2, %dma_start3A_99] : memref<128x128xi32, #tpu.memory_space<hbm>> -> memref<4x128xi32, #tpu.memory_space<hbm>>
      tpu.enqueue_dma source(%dma_start3A_100 : memref<4x128xi32, #tpu.memory_space<hbm>>) target(%arg5 : memref<4x128xi32, #tpu.memory_space<vmem>>) target_semaphore(%run_scoped3A : memref<!tpu.dma_semaphore, #tpu.memory_space<semaphore_mem>>)
      %dma_wait3A_101 = arith.constant 0 : i32
      %dma_wait3A_102 = tpu.memref_slice %arg3[%mul3A_2, %dma_wait3A_101] : memref<128x128xi32, #tpu.memory_space<hbm>> -> memref<4x128xi32, #tpu.memory_space<hbm>>
      %dma_wait3A_103 = arith.constant 0 : i32
      %dma_wait3A_104 = tpu.memref_slice %arg3[%mul3A_2, %dma_wait3A_103] : memref<128x128xi32, #tpu.memory_space<hbm>> -> memref<4x128xi32, #tpu.memory_space<hbm>>
      tpu.wait_dma2 semaphore(%run_scoped3A : memref<!tpu.dma_semaphore, #tpu.memory_space<semaphore_mem>>) src(%dma_wait3A_104 : memref<4x128xi32, #tpu.memory_space<hbm>>) dst(%arg5 : memref<4x128xi32, #tpu.memory_space<vmem>>)
      tpu.yield
    }) : () -> ()
    %dma_start3A = arith.constant 0 : i32
    %dma_start3A_3 = arith.constant 0 : i32
    %dma_start3A_4 = arith.constant 0 : i32
    %dma_start3A_5 = arith.constant 0 : i32
    %dma_start3A_6 = tpu.memref_slice %arg6[%dma_start3A_3, %dma_start3A_4, %dma_start3A_5] : memref<4x128x32xf32, #tpu.memory_space<vmem>> -> memref<1x128x32xf32, #tpu.memory_space<vmem>>
    %dma_start3A_7 = tpu.memref_squeeze %dma_start3A_6 : memref<1x128x32xf32, #tpu.memory_space<vmem>> -> memref<128x32xf32, #tpu.memory_space<vmem>>
    %dma_start3A_8 = arith.constant 0 : i32
    %dma_start3A_9 = tpu.memref_slice %arg5[%dma_start3A, %dma_start3A_8] : memref<4x128xi32, #tpu.memory_space<vmem>> -> memref<1x128xi32, #tpu.memory_space<vmem>>
    %dma_start3A_10 = tpu.memref_squeeze %dma_start3A_9 : memref<1x128xi32, #tpu.memory_space<vmem>> -> memref<128xi32, #tpu.memory_space<vmem>>
    %dma_start3A_11 = arith.constant 0 : i32
    %dma_start3A_12 = arith.constant 0 : i32
    %dma_start3A_13 = tpu.memref_slice %arg2[%dma_start3A_11, %dma_start3A_12] : memref<8192x32xf32, #tpu.memory_space<hbm>> -> memref<8192x32xf32, #tpu.memory_space<hbm>>
    tpu.enqueue_indirect_dma source(%dma_start3A_13 : memref<8192x32xf32, #tpu.memory_space<hbm>>) target(%dma_start3A_7 : memref<128x32xf32, #tpu.memory_space<vmem>>) offsets(%dma_start3A_10 : memref<128xi32, #tpu.memory_space<vmem>>) semaphore(%arg7 : memref<!tpu.dma_semaphore, #tpu.memory_space<semaphore_mem>>)
    %dma_start3A_14 = arith.constant 1 : i32
    %dma_start3A_15 = arith.constant 1 : i32
    %dma_start3A_16 = arith.constant 0 : i32
    %dma_start3A_17 = arith.constant 0 : i32
    %dma_start3A_18 = tpu.memref_slice %arg6[%dma_start3A_15, %dma_start3A_16, %dma_start3A_17] : memref<4x128x32xf32, #tpu.memory_space<vmem>> -> memref<1x128x32xf32, #tpu.memory_space<vmem>>
    %dma_start3A_19 = tpu.memref_squeeze %dma_start3A_18 : memref<1x128x32xf32, #tpu.memory_space<vmem>> -> memref<128x32xf32, #tpu.memory_space<vmem>>
    %dma_start3A_20 = arith.constant 0 : i32
    %dma_start3A_21 = tpu.memref_slice %arg5[%dma_start3A_14, %dma_start3A_20] : memref<4x128xi32, #tpu.memory_space<vmem>> -> memref<1x128xi32, #tpu.memory_space<vmem>>
    %dma_start3A_22 = tpu.memref_squeeze %dma_start3A_21 : memref<1x128xi32, #tpu.memory_space<vmem>> -> memref<128xi32, #tpu.memory_space<vmem>>
    %dma_start3A_23 = arith.constant 0 : i32
    %dma_start3A_24 = arith.constant 0 : i32
    %dma_start3A_25 = tpu.memref_slice %arg2[%dma_start3A_23, %dma_start3A_24] : memref<8192x32xf32, #tpu.memory_space<hbm>> -> memref<8192x32xf32, #tpu.memory_space<hbm>>
    tpu.enqueue_indirect_dma source(%dma_start3A_25 : memref<8192x32xf32, #tpu.memory_space<hbm>>) target(%dma_start3A_19 : memref<128x32xf32, #tpu.memory_space<vmem>>) offsets(%dma_start3A_22 : memref<128xi32, #tpu.memory_space<vmem>>) semaphore(%arg7 : memref<!tpu.dma_semaphore, #tpu.memory_space<semaphore_mem>>)
    %dma_start3A_26 = arith.constant 2 : i32
    %dma_start3A_27 = arith.constant 2 : i32
    %dma_start3A_28 = arith.constant 0 : i32
    %dma_start3A_29 = arith.constant 0 : i32
    %dma_start3A_30 = tpu.memref_slice %arg6[%dma_start3A_27, %dma_start3A_28, %dma_start3A_29] : memref<4x128x32xf32, #tpu.memory_space<vmem>> -> memref<1x128x32xf32, #tpu.memory_space<vmem>>
    %dma_start3A_31 = tpu.memref_squeeze %dma_start3A_30 : memref<1x128x32xf32, #tpu.memory_space<vmem>> -> memref<128x32xf32, #tpu.memory_space<vmem>>
    %dma_start3A_32 = arith.constant 0 : i32
    %dma_start3A_33 = tpu.memref_slice %arg5[%dma_start3A_26, %dma_start3A_32] : memref<4x128xi32, #tpu.memory_space<vmem>> -> memref<1x128xi32, #tpu.memory_space<vmem>>
    %dma_start3A_34 = tpu.memref_squeeze %dma_start3A_33 : memref<1x128xi32, #tpu.memory_space<vmem>> -> memref<128xi32, #tpu.memory_space<vmem>>
    %dma_start3A_35 = arith.constant 0 : i32
    %dma_start3A_36 = arith.constant 0 : i32
    %dma_start3A_37 = tpu.memref_slice %arg2[%dma_start3A_35, %dma_start3A_36] : memref<8192x32xf32, #tpu.memory_space<hbm>> -> memref<8192x32xf32, #tpu.memory_space<hbm>>
    tpu.enqueue_indirect_dma source(%dma_start3A_37 : memref<8192x32xf32, #tpu.memory_space<hbm>>) target(%dma_start3A_31 : memref<128x32xf32, #tpu.memory_space<vmem>>) offsets(%dma_start3A_34 : memref<128xi32, #tpu.memory_space<vmem>>) semaphore(%arg7 : memref<!tpu.dma_semaphore, #tpu.memory_space<semaphore_mem>>)
    %dma_start3A_38 = arith.constant 3 : i32
    %dma_start3A_39 = arith.constant 3 : i32
    %dma_start3A_40 = arith.constant 0 : i32
    %dma_start3A_41 = arith.constant 0 : i32
    %dma_start3A_42 = tpu.memref_slice %arg6[%dma_start3A_39, %dma_start3A_40, %dma_start3A_41] : memref<4x128x32xf32, #tpu.memory_space<vmem>> -> memref<1x128x32xf32, #tpu.memory_space<vmem>>
    %dma_start3A_43 = tpu.memref_squeeze %dma_start3A_42 : memref<1x128x32xf32, #tpu.memory_space<vmem>> -> memref<128x32xf32, #tpu.memory_space<vmem>>
    %dma_start3A_44 = arith.constant 0 : i32
    %dma_start3A_45 = tpu.memref_slice %arg5[%dma_start3A_38, %dma_start3A_44] : memref<4x128xi32, #tpu.memory_space<vmem>> -> memref<1x128xi32, #tpu.memory_space<vmem>>
    %dma_start3A_46 = tpu.memref_squeeze %dma_start3A_45 : memref<1x128xi32, #tpu.memory_space<vmem>> -> memref<128xi32, #tpu.memory_space<vmem>>
    %dma_start3A_47 = arith.constant 0 : i32
    %dma_start3A_48 = arith.constant 0 : i32
    %dma_start3A_49 = tpu.memref_slice %arg2[%dma_start3A_47, %dma_start3A_48] : memref<8192x32xf32, #tpu.memory_space<hbm>> -> memref<8192x32xf32, #tpu.memory_space<hbm>>
    tpu.enqueue_indirect_dma source(%dma_start3A_49 : memref<8192x32xf32, #tpu.memory_space<hbm>>) target(%dma_start3A_43 : memref<128x32xf32, #tpu.memory_space<vmem>>) offsets(%dma_start3A_46 : memref<128xi32, #tpu.memory_space<vmem>>) semaphore(%arg7 : memref<!tpu.dma_semaphore, #tpu.memory_space<semaphore_mem>>)
    %dma_wait3A = arith.constant 0 : i32
    %dma_wait3A_50 = arith.constant 0 : i32
    %dma_wait3A_51 = arith.constant 0 : i32
    %dma_wait3A_52 = arith.constant 0 : i32
    %dma_wait3A_53 = tpu.memref_slice %arg6[%dma_wait3A_50, %dma_wait3A_51, %dma_wait3A_52] : memref<4x128x32xf32, #tpu.memory_space<vmem>> -> memref<1x128x32xf32, #tpu.memory_space<vmem>>
    %dma_wait3A_54 = tpu.memref_squeeze %dma_wait3A_53 : memref<1x128x32xf32, #tpu.memory_space<vmem>> -> memref<128x32xf32, #tpu.memory_space<vmem>>
    %dma_wait3A_55 = arith.constant 0 : i32
    %dma_wait3A_56 = tpu.memref_slice %arg5[%dma_wait3A, %dma_wait3A_55] : memref<4x128xi32, #tpu.memory_space<vmem>> -> memref<1x128xi32, #tpu.memory_space<vmem>>
    %dma_wait3A_57 = tpu.memref_squeeze %dma_wait3A_56 : memref<1x128xi32, #tpu.memory_space<vmem>> -> memref<128xi32, #tpu.memory_space<vmem>>
    %dma_wait3A_58 = arith.constant 0 : i32
    %dma_wait3A_59 = arith.constant 0 : i32
    %dma_wait3A_60 = tpu.memref_slice %arg2[%dma_wait3A_58, %dma_wait3A_59] : memref<8192x32xf32, #tpu.memory_space<hbm>> -> memref<8192x32xf32, #tpu.memory_space<hbm>>
    tpu.wait_indirect_dma semaphore(%arg7 : memref<!tpu.dma_semaphore, #tpu.memory_space<semaphore_mem>>) src(%dma_wait3A_60 : memref<8192x32xf32, #tpu.memory_space<hbm>>) dst(%dma_wait3A_54 : memref<128x32xf32, #tpu.memory_space<vmem>>)
    %dma_wait3A_61 = arith.constant 1 : i32
    %dma_wait3A_62 = arith.constant 1 : i32
    %dma_wait3A_63 = arith.constant 0 : i32
    %dma_wait3A_64 = arith.constant 0 : i32
    %dma_wait3A_65 = tpu.memref_slice %arg6[%dma_wait3A_62, %dma_wait3A_63, %dma_wait3A_64] : memref<4x128x32xf32, #tpu.memory_space<vmem>> -> memref<1x128x32xf32, #tpu.memory_space<vmem>>
    %dma_wait3A_66 = tpu.memref_squeeze %dma_wait3A_65 : memref<1x128x32xf32, #tpu.memory_space<vmem>> -> memref<128x32xf32, #tpu.memory_space<vmem>>
    %dma_wait3A_67 = arith.constant 0 : i32
    %dma_wait3A_68 = tpu.memref_slice %arg5[%dma_wait3A_61, %dma_wait3A_67] : memref<4x128xi32, #tpu.memory_space<vmem>> -> memref<1x128xi32, #tpu.memory_space<vmem>>
    %dma_wait3A_69 = tpu.memref_squeeze %dma_wait3A_68 : memref<1x128xi32, #tpu.memory_space<vmem>> -> memref<128xi32, #tpu.memory_space<vmem>>
    %dma_wait3A_70 = arith.constant 0 : i32
    %dma_wait3A_71 = arith.constant 0 : i32
    %dma_wait3A_72 = tpu.memref_slice %arg2[%dma_wait3A_70, %dma_wait3A_71] : memref<8192x32xf32, #tpu.memory_space<hbm>> -> memref<8192x32xf32, #tpu.memory_space<hbm>>
    tpu.wait_indirect_dma semaphore(%arg7 : memref<!tpu.dma_semaphore, #tpu.memory_space<semaphore_mem>>) src(%dma_wait3A_72 : memref<8192x32xf32, #tpu.memory_space<hbm>>) dst(%dma_wait3A_66 : memref<128x32xf32, #tpu.memory_space<vmem>>)
    %dma_wait3A_73 = arith.constant 2 : i32
    %dma_wait3A_74 = arith.constant 2 : i32
    %dma_wait3A_75 = arith.constant 0 : i32
    %dma_wait3A_76 = arith.constant 0 : i32
    %dma_wait3A_77 = tpu.memref_slice %arg6[%dma_wait3A_74, %dma_wait3A_75, %dma_wait3A_76] : memref<4x128x32xf32, #tpu.memory_space<vmem>> -> memref<1x128x32xf32, #tpu.memory_space<vmem>>
    %dma_wait3A_78 = tpu.memref_squeeze %dma_wait3A_77 : memref<1x128x32xf32, #tpu.memory_space<vmem>> -> memref<128x32xf32, #tpu.memory_space<vmem>>
    %dma_wait3A_79 = arith.constant 0 : i32
    %dma_wait3A_80 = tpu.memref_slice %arg5[%dma_wait3A_73, %dma_wait3A_79] : memref<4x128xi32, #tpu.memory_space<vmem>> -> memref<1x128xi32, #tpu.memory_space<vmem>>
    %dma_wait3A_81 = tpu.memref_squeeze %dma_wait3A_80 : memref<1x128xi32, #tpu.memory_space<vmem>> -> memref<128xi32, #tpu.memory_space<vmem>>
    %dma_wait3A_82 = arith.constant 0 : i32
    %dma_wait3A_83 = arith.constant 0 : i32
    %dma_wait3A_84 = tpu.memref_slice %arg2[%dma_wait3A_82, %dma_wait3A_83] : memref<8192x32xf32, #tpu.memory_space<hbm>> -> memref<8192x32xf32, #tpu.memory_space<hbm>>
    tpu.wait_indirect_dma semaphore(%arg7 : memref<!tpu.dma_semaphore, #tpu.memory_space<semaphore_mem>>) src(%dma_wait3A_84 : memref<8192x32xf32, #tpu.memory_space<hbm>>) dst(%dma_wait3A_78 : memref<128x32xf32, #tpu.memory_space<vmem>>)
    %dma_wait3A_85 = arith.constant 3 : i32
    %dma_wait3A_86 = arith.constant 3 : i32
    %dma_wait3A_87 = arith.constant 0 : i32
    %dma_wait3A_88 = arith.constant 0 : i32
    %dma_wait3A_89 = tpu.memref_slice %arg6[%dma_wait3A_86, %dma_wait3A_87, %dma_wait3A_88] : memref<4x128x32xf32, #tpu.memory_space<vmem>> -> memref<1x128x32xf32, #tpu.memory_space<vmem>>
    %dma_wait3A_90 = tpu.memref_squeeze %dma_wait3A_89 : memref<1x128x32xf32, #tpu.memory_space<vmem>> -> memref<128x32xf32, #tpu.memory_space<vmem>>
    %dma_wait3A_91 = arith.constant 0 : i32
    %dma_wait3A_92 = tpu.memref_slice %arg5[%dma_wait3A_85, %dma_wait3A_91] : memref<4x128xi32, #tpu.memory_space<vmem>> -> memref<1x128xi32, #tpu.memory_space<vmem>>
    %dma_wait3A_93 = tpu.memref_squeeze %dma_wait3A_92 : memref<1x128xi32, #tpu.memory_space<vmem>> -> memref<128xi32, #tpu.memory_space<vmem>>
    %dma_wait3A_94 = arith.constant 0 : i32
    %dma_wait3A_95 = arith.constant 0 : i32
    %dma_wait3A_96 = tpu.memref_slice %arg2[%dma_wait3A_94, %dma_wait3A_95] : memref<8192x32xf32, #tpu.memory_space<hbm>> -> memref<8192x32xf32, #tpu.memory_space<hbm>>
    tpu.wait_indirect_dma semaphore(%arg7 : memref<!tpu.dma_semaphore, #tpu.memory_space<semaphore_mem>>) src(%dma_wait3A_96 : memref<8192x32xf32, #tpu.memory_space<hbm>>) dst(%dma_wait3A_90 : memref<128x32xf32, #tpu.memory_space<vmem>>)
    "tpu.region"() ({
      %run_scoped3A = tpu.sem_alloc : memref<!tpu.dma_semaphore, #tpu.memory_space<semaphore_mem>>
      %dma_start3A_97 = arith.constant 0 : i32
      %dma_start3A_98 = arith.constant 0 : i32
      %dma_start3A_99 = tpu.memref_slice %arg4[%mul3A_2, %dma_start3A_97, %dma_start3A_98] : memref<128x128x32xf32, #tpu.memory_space<hbm>> -> memref<4x128x32xf32, #tpu.memory_space<hbm>>
      %dma_start3A_100 = arith.constant 0 : i32
      %dma_start3A_101 = arith.constant 0 : i32
      %dma_start3A_102 = tpu.memref_slice %arg4[%mul3A_2, %dma_start3A_100, %dma_start3A_101] : memref<128x128x32xf32, #tpu.memory_space<hbm>> -> memref<4x128x32xf32, #tpu.memory_space<hbm>>
      tpu.enqueue_dma source(%arg6 : memref<4x128x32xf32, #tpu.memory_space<vmem>>) target(%dma_start3A_102 : memref<4x128x32xf32, #tpu.memory_space<hbm>>) target_semaphore(%run_scoped3A : memref<!tpu.dma_semaphore, #tpu.memory_space<semaphore_mem>>)
      %dma_wait3A_103 = arith.constant 0 : i32
      %dma_wait3A_104 = arith.constant 0 : i32
      %dma_wait3A_105 = tpu.memref_slice %arg4[%mul3A_2, %dma_wait3A_103, %dma_wait3A_104] : memref<128x128x32xf32, #tpu.memory_space<hbm>> -> memref<4x128x32xf32, #tpu.memory_space<hbm>>
      %dma_wait3A_106 = arith.constant 0 : i32
      %dma_wait3A_107 = arith.constant 0 : i32
      %dma_wait3A_108 = tpu.memref_slice %arg4[%mul3A_2, %dma_wait3A_106, %dma_wait3A_107] : memref<128x128x32xf32, #tpu.memory_space<hbm>> -> memref<4x128x32xf32, #tpu.memory_space<hbm>>
      tpu.wait_dma2 semaphore(%run_scoped3A : memref<!tpu.dma_semaphore, #tpu.memory_space<semaphore_mem>>) src(%arg6 : memref<4x128x32xf32, #tpu.memory_space<vmem>>) dst(%dma_wait3A_108 : memref<4x128x32xf32, #tpu.memory_space<hbm>>)
      tpu.yield
    }) : () -> ()
    return
  }
}

module attributes {stable_mosaic.version = 14 : i64} {
  func.func @_argmin_body(%arg0: i32, %arg1: memref<2048x32xf32, #tpu.memory_space<vmem>>, %arg2: memref<8192x32xf32, #tpu.memory_space<vmem>>, %arg3: memref<1x1x2048xi32, #tpu.memory_space<vmem>>, %arg4: memref<1x8192xf32, #tpu.memory_space<vmem>>, %arg5: memref<2048x128xf32, #tpu.memory_space<vmem>>) attributes {dimension_semantics = [#tpu.dimension_semantics<arbitrary>], iteration_bounds = array<i64: 8>, scalar_prefetch = 0 : i64, scratch_operands = 2 : i64, tpu.core_type = #tpu.core_type<tc>, window_params = [{transform_indices = @transform_0, window_bounds = array<i64: 2048, 32>}, {pipeline_mode = #tpu.pipeline_mode<synchronous>, transform_indices = @transform_1, window_bounds = array<i64: 8192, 32>}, {transform_indices = @transform_2, window_bounds = array<i64: 1, 1, 2048>}]} {
    %eq3A = arith.constant 0 : i32
    %eq3A_0 = arith.cmpi eq, %arg0, %eq3A : i32
    %convert_element_type3A = arith.extui %eq3A_0 : i1 to i32
    %cond3A = arith.constant 0 : i32
    %cond3A_1 = arith.cmpi ne, %convert_element_type3A, %cond3A : i32
    scf.if %cond3A_1 {
      %iota3A = tpu.iota {dimensions = array<i32: 1>} : vector<2048x128xi32>
      %convert_element_type3A_483 = arith.sitofp %iota3A : vector<2048x128xi32> to vector<2048x128xf32>
      %swap3A_484 = arith.constant 0 : index
      %swap3A_485 = arith.constant 0 : index
      %swap3A_486 = vector.load %arg5[%swap3A_484, %swap3A_485] : memref<2048x128xf32, #tpu.memory_space<vmem>>, vector<2048x128xf32>
      tpu.vector_store %arg5[%swap3A_484, %swap3A_485], %convert_element_type3A_483 {strides = array<i32>} : memref<2048x128xf32, #tpu.memory_space<vmem>>, vector<2048x128xf32>,
      %get3A_487 = arith.constant 0 : index
      %get3A_488 = arith.constant 0 : index
      %get3A_489 = vector.load %arg2[%get3A_487, %get3A_488] : memref<8192x32xf32, #tpu.memory_space<vmem>>, vector<1024x32xf32>
      %mul3A_490 = arith.mulf %get3A_489, %get3A_489 : vector<1024x32xf32>
      %reduce_sum3A = arith.constant dense<0.000000e+00> : vector<1024xf32>
      %reduce_sum3A_491 = vector.multi_reduction <add>, %mul3A_490, %reduce_sum3A [1] : vector<1024x32xf32> to vector<1024xf32>
      %reshape3A_492 = vector.shape_cast %reduce_sum3A_491 : vector<1024xf32> to vector<1x1024xf32>
      %swap3A_493 = arith.constant 0 : index
      %swap3A_494 = arith.constant 0 : index
      %swap3A_495 = vector.load %arg4[%swap3A_493, %swap3A_494] : memref<1x8192xf32, #tpu.memory_space<vmem>>, vector<1x1024xf32>
      tpu.vector_store %arg4[%swap3A_493, %swap3A_494], %reshape3A_492 {strides = array<i32>} : memref<1x8192xf32, #tpu.memory_space<vmem>>, vector<1x1024xf32>,
      %get3A_496 = arith.constant 1024 : index
      %get3A_497 = arith.constant 0 : index
      %get3A_498 = vector.load %arg2[%get3A_496, %get3A_497] : memref<8192x32xf32, #tpu.memory_space<vmem>>, vector<1024x32xf32>
      %mul3A_499 = arith.mulf %get3A_498, %get3A_498 : vector<1024x32xf32>
      %reduce_sum3A_500 = arith.constant dense<0.000000e+00> : vector<1024xf32>
      %reduce_sum3A_501 = vector.multi_reduction <add>, %mul3A_499, %reduce_sum3A_500 [1] : vector<1024x32xf32> to vector<1024xf32>
      %reshape3A_502 = vector.shape_cast %reduce_sum3A_501 : vector<1024xf32> to vector<1x1024xf32>
      %swap3A_503 = arith.constant 0 : index
      %swap3A_504 = arith.constant 1024 : index
      %swap3A_505 = vector.load %arg4[%swap3A_503, %swap3A_504] : memref<1x8192xf32, #tpu.memory_space<vmem>>, vector<1x1024xf32>
      tpu.vector_store %arg4[%swap3A_503, %swap3A_504], %reshape3A_502 {strides = array<i32>} : memref<1x8192xf32, #tpu.memory_space<vmem>>, vector<1x1024xf32>,
      %get3A_506 = arith.constant 2048 : index
      %get3A_507 = arith.constant 0 : index
      %get3A_508 = vector.load %arg2[%get3A_506, %get3A_507] : memref<8192x32xf32, #tpu.memory_space<vmem>>, vector<1024x32xf32>
      %mul3A_509 = arith.mulf %get3A_508, %get3A_508 : vector<1024x32xf32>
      %reduce_sum3A_510 = arith.constant dense<0.000000e+00> : vector<1024xf32>
      %reduce_sum3A_511 = vector.multi_reduction <add>, %mul3A_509, %reduce_sum3A_510 [1] : vector<1024x32xf32> to vector<1024xf32>
      %reshape3A_512 = vector.shape_cast %reduce_sum3A_511 : vector<1024xf32> to vector<1x1024xf32>
      %swap3A_513 = arith.constant 0 : index
      %swap3A_514 = arith.constant 2048 : index
      %swap3A_515 = vector.load %arg4[%swap3A_513, %swap3A_514] : memref<1x8192xf32, #tpu.memory_space<vmem>>, vector<1x1024xf32>
      tpu.vector_store %arg4[%swap3A_513, %swap3A_514], %reshape3A_512 {strides = array<i32>} : memref<1x8192xf32, #tpu.memory_space<vmem>>, vector<1x1024xf32>,
      %get3A_516 = arith.constant 3072 : index
      %get3A_517 = arith.constant 0 : index
      %get3A_518 = vector.load %arg2[%get3A_516, %get3A_517] : memref<8192x32xf32, #tpu.memory_space<vmem>>, vector<1024x32xf32>
      %mul3A_519 = arith.mulf %get3A_518, %get3A_518 : vector<1024x32xf32>
      %reduce_sum3A_520 = arith.constant dense<0.000000e+00> : vector<1024xf32>
      %reduce_sum3A_521 = vector.multi_reduction <add>, %mul3A_519, %reduce_sum3A_520 [1] : vector<1024x32xf32> to vector<1024xf32>
      %reshape3A_522 = vector.shape_cast %reduce_sum3A_521 : vector<1024xf32> to vector<1x1024xf32>
      %swap3A_523 = arith.constant 0 : index
      %swap3A_524 = arith.constant 3072 : index
      %swap3A_525 = vector.load %arg4[%swap3A_523, %swap3A_524] : memref<1x8192xf32, #tpu.memory_space<vmem>>, vector<1x1024xf32>
      tpu.vector_store %arg4[%swap3A_523, %swap3A_524], %reshape3A_522 {strides = array<i32>} : memref<1x8192xf32, #tpu.memory_space<vmem>>, vector<1x1024xf32>,
      %get3A_526 = arith.constant 4096 : index
      %get3A_527 = arith.constant 0 : index
      %get3A_528 = vector.load %arg2[%get3A_526, %get3A_527] : memref<8192x32xf32, #tpu.memory_space<vmem>>, vector<1024x32xf32>
      %mul3A_529 = arith.mulf %get3A_528, %get3A_528 : vector<1024x32xf32>
      %reduce_sum3A_530 = arith.constant dense<0.000000e+00> : vector<1024xf32>
      %reduce_sum3A_531 = vector.multi_reduction <add>, %mul3A_529, %reduce_sum3A_530 [1] : vector<1024x32xf32> to vector<1024xf32>
      %reshape3A_532 = vector.shape_cast %reduce_sum3A_531 : vector<1024xf32> to vector<1x1024xf32>
      %swap3A_533 = arith.constant 0 : index
      %swap3A_534 = arith.constant 4096 : index
      %swap3A_535 = vector.load %arg4[%swap3A_533, %swap3A_534] : memref<1x8192xf32, #tpu.memory_space<vmem>>, vector<1x1024xf32>
      tpu.vector_store %arg4[%swap3A_533, %swap3A_534], %reshape3A_532 {strides = array<i32>} : memref<1x8192xf32, #tpu.memory_space<vmem>>, vector<1x1024xf32>,
      %get3A_536 = arith.constant 5120 : index
      %get3A_537 = arith.constant 0 : index
      %get3A_538 = vector.load %arg2[%get3A_536, %get3A_537] : memref<8192x32xf32, #tpu.memory_space<vmem>>, vector<1024x32xf32>
      %mul3A_539 = arith.mulf %get3A_538, %get3A_538 : vector<1024x32xf32>
      %reduce_sum3A_540 = arith.constant dense<0.000000e+00> : vector<1024xf32>
      %reduce_sum3A_541 = vector.multi_reduction <add>, %mul3A_539, %reduce_sum3A_540 [1] : vector<1024x32xf32> to vector<1024xf32>
      %reshape3A_542 = vector.shape_cast %reduce_sum3A_541 : vector<1024xf32> to vector<1x1024xf32>
      %swap3A_543 = arith.constant 0 : index
      %swap3A_544 = arith.constant 5120 : index
      %swap3A_545 = vector.load %arg4[%swap3A_543, %swap3A_544] : memref<1x8192xf32, #tpu.memory_space<vmem>>, vector<1x1024xf32>
      tpu.vector_store %arg4[%swap3A_543, %swap3A_544], %reshape3A_542 {strides = array<i32>} : memref<1x8192xf32, #tpu.memory_space<vmem>>, vector<1x1024xf32>,
      %get3A_546 = arith.constant 6144 : index
      %get3A_547 = arith.constant 0 : index
      %get3A_548 = vector.load %arg2[%get3A_546, %get3A_547] : memref<8192x32xf32, #tpu.memory_space<vmem>>, vector<1024x32xf32>
      %mul3A_549 = arith.mulf %get3A_548, %get3A_548 : vector<1024x32xf32>
      %reduce_sum3A_550 = arith.constant dense<0.000000e+00> : vector<1024xf32>
      %reduce_sum3A_551 = vector.multi_reduction <add>, %mul3A_549, %reduce_sum3A_550 [1] : vector<1024x32xf32> to vector<1024xf32>
      %reshape3A_552 = vector.shape_cast %reduce_sum3A_551 : vector<1024xf32> to vector<1x1024xf32>
      %swap3A_553 = arith.constant 0 : index
      %swap3A_554 = arith.constant 6144 : index
      %swap3A_555 = vector.load %arg4[%swap3A_553, %swap3A_554] : memref<1x8192xf32, #tpu.memory_space<vmem>>, vector<1x1024xf32>
      tpu.vector_store %arg4[%swap3A_553, %swap3A_554], %reshape3A_552 {strides = array<i32>} : memref<1x8192xf32, #tpu.memory_space<vmem>>, vector<1x1024xf32>,
      %get3A_556 = arith.constant 7168 : index
      %get3A_557 = arith.constant 0 : index
      %get3A_558 = vector.load %arg2[%get3A_556, %get3A_557] : memref<8192x32xf32, #tpu.memory_space<vmem>>, vector<1024x32xf32>
      %mul3A_559 = arith.mulf %get3A_558, %get3A_558 : vector<1024x32xf32>
      %reduce_sum3A_560 = arith.constant dense<0.000000e+00> : vector<1024xf32>
      %reduce_sum3A_561 = vector.multi_reduction <add>, %mul3A_559, %reduce_sum3A_560 [1] : vector<1024x32xf32> to vector<1024xf32>
      %reshape3A_562 = vector.shape_cast %reduce_sum3A_561 : vector<1024xf32> to vector<1x1024xf32>
      %swap3A_563 = arith.constant 0 : index
      %swap3A_564 = arith.constant 7168 : index
      %swap3A_565 = vector.load %arg4[%swap3A_563, %swap3A_564] : memref<1x8192xf32, #tpu.memory_space<vmem>>, vector<1x1024xf32>
      tpu.vector_store %arg4[%swap3A_563, %swap3A_564], %reshape3A_562 {strides = array<i32>} : memref<1x8192xf32, #tpu.memory_space<vmem>>, vector<1x1024xf32>,
    } else {
    }
    %get3A = arith.constant 0 : index
    %get3A_2 = arith.constant 0 : index
    %get3A_3 = vector.load %arg1[%get3A, %get3A_2] : memref<2048x32xf32, #tpu.memory_space<vmem>>, vector<2048x32xf32>
    %mul3A = arith.constant -2.000000e+00 : f32
    %mul3A_4 = vector.broadcast %mul3A : f32 to vector<2048x32xf32>
    %mul3A_5 = arith.mulf %get3A_3, %mul3A_4 : vector<2048x32xf32>
    %broadcast_in_dim3A = arith.constant 0x7F800000 : f32
    %broadcast_in_dim3A_6 = vector.broadcast %broadcast_in_dim3A : f32 to vector<2048x128xf32>
    %broadcast_in_dim3A_7 = arith.constant 0.000000e+00 : f32
    %broadcast_in_dim3A_8 = vector.broadcast %broadcast_in_dim3A_7 : f32 to vector<2048x128xf32>
    %get3A_9 = arith.constant 0 : index
    %get3A_10 = arith.constant 0 : index
    %get3A_11 = vector.load %arg2[%get3A_9, %get3A_10] : memref<8192x32xf32, #tpu.memory_space<vmem>>, vector<1024x32xf32>
    %get3A_12 = arith.constant 0 : index
    %get3A_13 = arith.constant 0 : index
    %get3A_14 = vector.load %arg4[%get3A_12, %get3A_13] : memref<1x8192xf32, #tpu.memory_space<vmem>>, vector<1x1024xf32>
    %dot_general3A = arith.constant dense<0.000000e+00> : vector<2048x1024xf32>
    %dot_general3A_15 = tpu.matmul %mul3A_5, %get3A_11, %dot_general3A {dimension_numbers = #tpu.dot_dimension_numbers<[1], [1], [0], [0], [0, 0, 1, 0], [], []>, transpose_lhs_hint = false} : vector<2048x32xf32>, vector<1024x32xf32>, vector<2048x1024xf32> -> vector<2048x1024xf32>
    %add3A = vector.broadcast %get3A_14 : vector<1x1024xf32> to vector<2048x1024xf32>
    %add3A_16 = arith.addf %dot_general3A_15, %add3A : vector<2048x1024xf32>
    %slice3A = vector.extract_strided_slice %add3A_16 {offsets = [0, 0], sizes = [2048, 128], strides = [1, 1]} : vector<2048x1024xf32> to vector<2048x128xf32>
    %lt3A = arith.cmpf olt, %slice3A, %broadcast_in_dim3A_6 : vector<2048x128xf32>
    %min3A = arith.minimumf %slice3A, %broadcast_in_dim3A_6 : vector<2048x128xf32>
    %jit3A = arith.constant 0.000000e+00 : f32
    %broadcast_in_dim3A_17 = vector.broadcast %jit3A : f32 to vector<2048x128xf32>
    %select_n3A = arith.select %lt3A, %broadcast_in_dim3A_17, %broadcast_in_dim3A_8 : vector<2048x128xi1>, vector<2048x128xf32>
    %slice3A_18 = vector.extract_strided_slice %add3A_16 {offsets = [0, 128], sizes = [2048, 128], strides = [1, 1]} : vector<2048x1024xf32> to vector<2048x128xf32>
    %lt3A_19 = arith.cmpf olt, %slice3A_18, %min3A : vector<2048x128xf32>
    %min3A_20 = arith.minimumf %slice3A_18, %min3A : vector<2048x128xf32>
    %jit3A_21 = arith.constant 1.280000e+02 : f32
    %broadcast_in_dim3A_22 = vector.broadcast %jit3A_21 : f32 to vector<2048x128xf32>
    %select_n3A_23 = arith.select %lt3A_19, %broadcast_in_dim3A_22, %select_n3A : vector<2048x128xi1>, vector<2048x128xf32>
    %slice3A_24 = vector.extract_strided_slice %add3A_16 {offsets = [0, 256], sizes = [2048, 128], strides = [1, 1]} : vector<2048x1024xf32> to vector<2048x128xf32>
    %lt3A_25 = arith.cmpf olt, %slice3A_24, %min3A_20 : vector<2048x128xf32>
    %min3A_26 = arith.minimumf %slice3A_24, %min3A_20 : vector<2048x128xf32>
    %jit3A_27 = arith.constant 2.560000e+02 : f32
    %broadcast_in_dim3A_28 = vector.broadcast %jit3A_27 : f32 to vector<2048x128xf32>
    %select_n3A_29 = arith.select %lt3A_25, %broadcast_in_dim3A_28, %select_n3A_23 : vector<2048x128xi1>, vector<2048x128xf32>
    %slice3A_30 = vector.extract_strided_slice %add3A_16 {offsets = [0, 384], sizes = [2048, 128], strides = [1, 1]} : vector<2048x1024xf32> to vector<2048x128xf32>
    %lt3A_31 = arith.cmpf olt, %slice3A_30, %min3A_26 : vector<2048x128xf32>
    %min3A_32 = arith.minimumf %slice3A_30, %min3A_26 : vector<2048x128xf32>
    %jit3A_33 = arith.constant 3.840000e+02 : f32
    %broadcast_in_dim3A_34 = vector.broadcast %jit3A_33 : f32 to vector<2048x128xf32>
    %select_n3A_35 = arith.select %lt3A_31, %broadcast_in_dim3A_34, %select_n3A_29 : vector<2048x128xi1>, vector<2048x128xf32>
    %slice3A_36 = vector.extract_strided_slice %add3A_16 {offsets = [0, 512], sizes = [2048, 128], strides = [1, 1]} : vector<2048x1024xf32> to vector<2048x128xf32>
    %lt3A_37 = arith.cmpf olt, %slice3A_36, %min3A_32 : vector<2048x128xf32>
    %min3A_38 = arith.minimumf %slice3A_36, %min3A_32 : vector<2048x128xf32>
    %jit3A_39 = arith.constant 5.120000e+02 : f32
    %broadcast_in_dim3A_40 = vector.broadcast %jit3A_39 : f32 to vector<2048x128xf32>
    %select_n3A_41 = arith.select %lt3A_37, %broadcast_in_dim3A_40, %select_n3A_35 : vector<2048x128xi1>, vector<2048x128xf32>
    %slice3A_42 = vector.extract_strided_slice %add3A_16 {offsets = [0, 640], sizes = [2048, 128], strides = [1, 1]} : vector<2048x1024xf32> to vector<2048x128xf32>
    %lt3A_43 = arith.cmpf olt, %slice3A_42, %min3A_38 : vector<2048x128xf32>
    %min3A_44 = arith.minimumf %slice3A_42, %min3A_38 : vector<2048x128xf32>
    %jit3A_45 = arith.constant 6.400000e+02 : f32
    %broadcast_in_dim3A_46 = vector.broadcast %jit3A_45 : f32 to vector<2048x128xf32>
    %select_n3A_47 = arith.select %lt3A_43, %broadcast_in_dim3A_46, %select_n3A_41 : vector<2048x128xi1>, vector<2048x128xf32>
    %slice3A_48 = vector.extract_strided_slice %add3A_16 {offsets = [0, 768], sizes = [2048, 128], strides = [1, 1]} : vector<2048x1024xf32> to vector<2048x128xf32>
    %lt3A_49 = arith.cmpf olt, %slice3A_48, %min3A_44 : vector<2048x128xf32>
    %min3A_50 = arith.minimumf %slice3A_48, %min3A_44 : vector<2048x128xf32>
    %jit3A_51 = arith.constant 7.680000e+02 : f32
    %broadcast_in_dim3A_52 = vector.broadcast %jit3A_51 : f32 to vector<2048x128xf32>
    %select_n3A_53 = arith.select %lt3A_49, %broadcast_in_dim3A_52, %select_n3A_47 : vector<2048x128xi1>, vector<2048x128xf32>
    %slice3A_54 = vector.extract_strided_slice %add3A_16 {offsets = [0, 896], sizes = [2048, 128], strides = [1, 1]} : vector<2048x1024xf32> to vector<2048x128xf32>
    %lt3A_55 = arith.cmpf olt, %slice3A_54, %min3A_50 : vector<2048x128xf32>
    %min3A_56 = arith.minimumf %slice3A_54, %min3A_50 : vector<2048x128xf32>
    %jit3A_57 = arith.constant 8.960000e+02 : f32
    %broadcast_in_dim3A_58 = vector.broadcast %jit3A_57 : f32 to vector<2048x128xf32>
    %select_n3A_59 = arith.select %lt3A_55, %broadcast_in_dim3A_58, %select_n3A_53 : vector<2048x128xi1>, vector<2048x128xf32>
    %get3A_60 = arith.constant 1024 : index
    %get3A_61 = arith.constant 0 : index
    %get3A_62 = vector.load %arg2[%get3A_60, %get3A_61] : memref<8192x32xf32, #tpu.memory_space<vmem>>, vector<1024x32xf32>
    %get3A_63 = arith.constant 0 : index
    %get3A_64 = arith.constant 1024 : index
    %get3A_65 = vector.load %arg4[%get3A_63, %get3A_64] : memref<1x8192xf32, #tpu.memory_space<vmem>>, vector<1x1024xf32>
    %dot_general3A_66 = arith.constant dense<0.000000e+00> : vector<2048x1024xf32>
    %dot_general3A_67 = tpu.matmul %mul3A_5, %get3A_62, %dot_general3A_66 {dimension_numbers = #tpu.dot_dimension_numbers<[1], [1], [0], [0], [0, 0, 1, 0], [], []>, transpose_lhs_hint = false} : vector<2048x32xf32>, vector<1024x32xf32>, vector<2048x1024xf32> -> vector<2048x1024xf32>
    %add3A_68 = vector.broadcast %get3A_65 : vector<1x1024xf32> to vector<2048x1024xf32>
    %add3A_69 = arith.addf %dot_general3A_67, %add3A_68 : vector<2048x1024xf32>
    %slice3A_70 = vector.extract_strided_slice %add3A_69 {offsets = [0, 0], sizes = [2048, 128], strides = [1, 1]} : vector<2048x1024xf32> to vector<2048x128xf32>
    %lt3A_71 = arith.cmpf olt, %slice3A_70, %min3A_56 : vector<2048x128xf32>
    %min3A_72 = arith.minimumf %slice3A_70, %min3A_56 : vector<2048x128xf32>
    %jit3A_73 = arith.constant 1.024000e+03 : f32
    %broadcast_in_dim3A_74 = vector.broadcast %jit3A_73 : f32 to vector<2048x128xf32>
    %select_n3A_75 = arith.select %lt3A_71, %broadcast_in_dim3A_74, %select_n3A_59 : vector<2048x128xi1>, vector<2048x128xf32>
    %slice3A_76 = vector.extract_strided_slice %add3A_69 {offsets = [0, 128], sizes = [2048, 128], strides = [1, 1]} : vector<2048x1024xf32> to vector<2048x128xf32>
    %lt3A_77 = arith.cmpf olt, %slice3A_76, %min3A_72 : vector<2048x128xf32>
    %min3A_78 = arith.minimumf %slice3A_76, %min3A_72 : vector<2048x128xf32>
    %jit3A_79 = arith.constant 1.152000e+03 : f32
    %broadcast_in_dim3A_80 = vector.broadcast %jit3A_79 : f32 to vector<2048x128xf32>
    %select_n3A_81 = arith.select %lt3A_77, %broadcast_in_dim3A_80, %select_n3A_75 : vector<2048x128xi1>, vector<2048x128xf32>
    %slice3A_82 = vector.extract_strided_slice %add3A_69 {offsets = [0, 256], sizes = [2048, 128], strides = [1, 1]} : vector<2048x1024xf32> to vector<2048x128xf32>
    %lt3A_83 = arith.cmpf olt, %slice3A_82, %min3A_78 : vector<2048x128xf32>
    %min3A_84 = arith.minimumf %slice3A_82, %min3A_78 : vector<2048x128xf32>
    %jit3A_85 = arith.constant 1.280000e+03 : f32
    %broadcast_in_dim3A_86 = vector.broadcast %jit3A_85 : f32 to vector<2048x128xf32>
    %select_n3A_87 = arith.select %lt3A_83, %broadcast_in_dim3A_86, %select_n3A_81 : vector<2048x128xi1>, vector<2048x128xf32>
    %slice3A_88 = vector.extract_strided_slice %add3A_69 {offsets = [0, 384], sizes = [2048, 128], strides = [1, 1]} : vector<2048x1024xf32> to vector<2048x128xf32>
    %lt3A_89 = arith.cmpf olt, %slice3A_88, %min3A_84 : vector<2048x128xf32>
    %min3A_90 = arith.minimumf %slice3A_88, %min3A_84 : vector<2048x128xf32>
    %jit3A_91 = arith.constant 1.408000e+03 : f32
    %broadcast_in_dim3A_92 = vector.broadcast %jit3A_91 : f32 to vector<2048x128xf32>
    %select_n3A_93 = arith.select %lt3A_89, %broadcast_in_dim3A_92, %select_n3A_87 : vector<2048x128xi1>, vector<2048x128xf32>
    %slice3A_94 = vector.extract_strided_slice %add3A_69 {offsets = [0, 512], sizes = [2048, 128], strides = [1, 1]} : vector<2048x1024xf32> to vector<2048x128xf32>
    %lt3A_95 = arith.cmpf olt, %slice3A_94, %min3A_90 : vector<2048x128xf32>
    %min3A_96 = arith.minimumf %slice3A_94, %min3A_90 : vector<2048x128xf32>
    %jit3A_97 = arith.constant 1.536000e+03 : f32
    %broadcast_in_dim3A_98 = vector.broadcast %jit3A_97 : f32 to vector<2048x128xf32>
    %select_n3A_99 = arith.select %lt3A_95, %broadcast_in_dim3A_98, %select_n3A_93 : vector<2048x128xi1>, vector<2048x128xf32>
    %slice3A_100 = vector.extract_strided_slice %add3A_69 {offsets = [0, 640], sizes = [2048, 128], strides = [1, 1]} : vector<2048x1024xf32> to vector<2048x128xf32>
    %lt3A_101 = arith.cmpf olt, %slice3A_100, %min3A_96 : vector<2048x128xf32>
    %min3A_102 = arith.minimumf %slice3A_100, %min3A_96 : vector<2048x128xf32>
    %jit3A_103 = arith.constant 1.664000e+03 : f32
    %broadcast_in_dim3A_104 = vector.broadcast %jit3A_103 : f32 to vector<2048x128xf32>
    %select_n3A_105 = arith.select %lt3A_101, %broadcast_in_dim3A_104, %select_n3A_99 : vector<2048x128xi1>, vector<2048x128xf32>
    %slice3A_106 = vector.extract_strided_slice %add3A_69 {offsets = [0, 768], sizes = [2048, 128], strides = [1, 1]} : vector<2048x1024xf32> to vector<2048x128xf32>
    %lt3A_107 = arith.cmpf olt, %slice3A_106, %min3A_102 : vector<2048x128xf32>
    %min3A_108 = arith.minimumf %slice3A_106, %min3A_102 : vector<2048x128xf32>
    %jit3A_109 = arith.constant 1.792000e+03 : f32
    %broadcast_in_dim3A_110 = vector.broadcast %jit3A_109 : f32 to vector<2048x128xf32>
    %select_n3A_111 = arith.select %lt3A_107, %broadcast_in_dim3A_110, %select_n3A_105 : vector<2048x128xi1>, vector<2048x128xf32>
    %slice3A_112 = vector.extract_strided_slice %add3A_69 {offsets = [0, 896], sizes = [2048, 128], strides = [1, 1]} : vector<2048x1024xf32> to vector<2048x128xf32>
    %lt3A_113 = arith.cmpf olt, %slice3A_112, %min3A_108 : vector<2048x128xf32>
    %min3A_114 = arith.minimumf %slice3A_112, %min3A_108 : vector<2048x128xf32>
    %jit3A_115 = arith.constant 1.920000e+03 : f32
    %broadcast_in_dim3A_116 = vector.broadcast %jit3A_115 : f32 to vector<2048x128xf32>
    %select_n3A_117 = arith.select %lt3A_113, %broadcast_in_dim3A_116, %select_n3A_111 : vector<2048x128xi1>, vector<2048x128xf32>
    %get3A_118 = arith.constant 2048 : index
    %get3A_119 = arith.constant 0 : index
    %get3A_120 = vector.load %arg2[%get3A_118, %get3A_119] : memref<8192x32xf32, #tpu.memory_space<vmem>>, vector<1024x32xf32>
    %get3A_121 = arith.constant 0 : index
    %get3A_122 = arith.constant 2048 : index
    %get3A_123 = vector.load %arg4[%get3A_121, %get3A_122] : memref<1x8192xf32, #tpu.memory_space<vmem>>, vector<1x1024xf32>
    %dot_general3A_124 = arith.constant dense<0.000000e+00> : vector<2048x1024xf32>
    %dot_general3A_125 = tpu.matmul %mul3A_5, %get3A_120, %dot_general3A_124 {dimension_numbers = #tpu.dot_dimension_numbers<[1], [1], [0], [0], [0, 0, 1, 0], [], []>, transpose_lhs_hint = false} : vector<2048x32xf32>, vector<1024x32xf32>, vector<2048x1024xf32> -> vector<2048x1024xf32>
    %add3A_126 = vector.broadcast %get3A_123 : vector<1x1024xf32> to vector<2048x1024xf32>
    %add3A_127 = arith.addf %dot_general3A_125, %add3A_126 : vector<2048x1024xf32>
    %slice3A_128 = vector.extract_strided_slice %add3A_127 {offsets = [0, 0], sizes = [2048, 128], strides = [1, 1]} : vector<2048x1024xf32> to vector<2048x128xf32>
    %lt3A_129 = arith.cmpf olt, %slice3A_128, %min3A_114 : vector<2048x128xf32>
    %min3A_130 = arith.minimumf %slice3A_128, %min3A_114 : vector<2048x128xf32>
    %jit3A_131 = arith.constant 2.048000e+03 : f32
    %broadcast_in_dim3A_132 = vector.broadcast %jit3A_131 : f32 to vector<2048x128xf32>
    %select_n3A_133 = arith.select %lt3A_129, %broadcast_in_dim3A_132, %select_n3A_117 : vector<2048x128xi1>, vector<2048x128xf32>
    %slice3A_134 = vector.extract_strided_slice %add3A_127 {offsets = [0, 128], sizes = [2048, 128], strides = [1, 1]} : vector<2048x1024xf32> to vector<2048x128xf32>
    %lt3A_135 = arith.cmpf olt, %slice3A_134, %min3A_130 : vector<2048x128xf32>
    %min3A_136 = arith.minimumf %slice3A_134, %min3A_130 : vector<2048x128xf32>
    %jit3A_137 = arith.constant 2.176000e+03 : f32
    %broadcast_in_dim3A_138 = vector.broadcast %jit3A_137 : f32 to vector<2048x128xf32>
    %select_n3A_139 = arith.select %lt3A_135, %broadcast_in_dim3A_138, %select_n3A_133 : vector<2048x128xi1>, vector<2048x128xf32>
    %slice3A_140 = vector.extract_strided_slice %add3A_127 {offsets = [0, 256], sizes = [2048, 128], strides = [1, 1]} : vector<2048x1024xf32> to vector<2048x128xf32>
    %lt3A_141 = arith.cmpf olt, %slice3A_140, %min3A_136 : vector<2048x128xf32>
    %min3A_142 = arith.minimumf %slice3A_140, %min3A_136 : vector<2048x128xf32>
    %jit3A_143 = arith.constant 2.304000e+03 : f32
    %broadcast_in_dim3A_144 = vector.broadcast %jit3A_143 : f32 to vector<2048x128xf32>
    %select_n3A_145 = arith.select %lt3A_141, %broadcast_in_dim3A_144, %select_n3A_139 : vector<2048x128xi1>, vector<2048x128xf32>
    %slice3A_146 = vector.extract_strided_slice %add3A_127 {offsets = [0, 384], sizes = [2048, 128], strides = [1, 1]} : vector<2048x1024xf32> to vector<2048x128xf32>
    %lt3A_147 = arith.cmpf olt, %slice3A_146, %min3A_142 : vector<2048x128xf32>
    %min3A_148 = arith.minimumf %slice3A_146, %min3A_142 : vector<2048x128xf32>
    %jit3A_149 = arith.constant 2.432000e+03 : f32
    %broadcast_in_dim3A_150 = vector.broadcast %jit3A_149 : f32 to vector<2048x128xf32>
    %select_n3A_151 = arith.select %lt3A_147, %broadcast_in_dim3A_150, %select_n3A_145 : vector<2048x128xi1>, vector<2048x128xf32>
    %slice3A_152 = vector.extract_strided_slice %add3A_127 {offsets = [0, 512], sizes = [2048, 128], strides = [1, 1]} : vector<2048x1024xf32> to vector<2048x128xf32>
    %lt3A_153 = arith.cmpf olt, %slice3A_152, %min3A_148 : vector<2048x128xf32>
    %min3A_154 = arith.minimumf %slice3A_152, %min3A_148 : vector<2048x128xf32>
    %jit3A_155 = arith.constant 2.560000e+03 : f32
    %broadcast_in_dim3A_156 = vector.broadcast %jit3A_155 : f32 to vector<2048x128xf32>
    %select_n3A_157 = arith.select %lt3A_153, %broadcast_in_dim3A_156, %select_n3A_151 : vector<2048x128xi1>, vector<2048x128xf32>
    %slice3A_158 = vector.extract_strided_slice %add3A_127 {offsets = [0, 640], sizes = [2048, 128], strides = [1, 1]} : vector<2048x1024xf32> to vector<2048x128xf32>
    %lt3A_159 = arith.cmpf olt, %slice3A_158, %min3A_154 : vector<2048x128xf32>
    %min3A_160 = arith.minimumf %slice3A_158, %min3A_154 : vector<2048x128xf32>
    %jit3A_161 = arith.constant 2.688000e+03 : f32
    %broadcast_in_dim3A_162 = vector.broadcast %jit3A_161 : f32 to vector<2048x128xf32>
    %select_n3A_163 = arith.select %lt3A_159, %broadcast_in_dim3A_162, %select_n3A_157 : vector<2048x128xi1>, vector<2048x128xf32>
    %slice3A_164 = vector.extract_strided_slice %add3A_127 {offsets = [0, 768], sizes = [2048, 128], strides = [1, 1]} : vector<2048x1024xf32> to vector<2048x128xf32>
    %lt3A_165 = arith.cmpf olt, %slice3A_164, %min3A_160 : vector<2048x128xf32>
    %min3A_166 = arith.minimumf %slice3A_164, %min3A_160 : vector<2048x128xf32>
    %jit3A_167 = arith.constant 2.816000e+03 : f32
    %broadcast_in_dim3A_168 = vector.broadcast %jit3A_167 : f32 to vector<2048x128xf32>
    %select_n3A_169 = arith.select %lt3A_165, %broadcast_in_dim3A_168, %select_n3A_163 : vector<2048x128xi1>, vector<2048x128xf32>
    %slice3A_170 = vector.extract_strided_slice %add3A_127 {offsets = [0, 896], sizes = [2048, 128], strides = [1, 1]} : vector<2048x1024xf32> to vector<2048x128xf32>
    %lt3A_171 = arith.cmpf olt, %slice3A_170, %min3A_166 : vector<2048x128xf32>
    %min3A_172 = arith.minimumf %slice3A_170, %min3A_166 : vector<2048x128xf32>
    %jit3A_173 = arith.constant 2.944000e+03 : f32
    %broadcast_in_dim3A_174 = vector.broadcast %jit3A_173 : f32 to vector<2048x128xf32>
    %select_n3A_175 = arith.select %lt3A_171, %broadcast_in_dim3A_174, %select_n3A_169 : vector<2048x128xi1>, vector<2048x128xf32>
    %get3A_176 = arith.constant 3072 : index
    %get3A_177 = arith.constant 0 : index
    %get3A_178 = vector.load %arg2[%get3A_176, %get3A_177] : memref<8192x32xf32, #tpu.memory_space<vmem>>, vector<1024x32xf32>
    %get3A_179 = arith.constant 0 : index
    %get3A_180 = arith.constant 3072 : index
    %get3A_181 = vector.load %arg4[%get3A_179, %get3A_180] : memref<1x8192xf32, #tpu.memory_space<vmem>>, vector<1x1024xf32>
    %dot_general3A_182 = arith.constant dense<0.000000e+00> : vector<2048x1024xf32>
    %dot_general3A_183 = tpu.matmul %mul3A_5, %get3A_178, %dot_general3A_182 {dimension_numbers = #tpu.dot_dimension_numbers<[1], [1], [0], [0], [0, 0, 1, 0], [], []>, transpose_lhs_hint = false} : vector<2048x32xf32>, vector<1024x32xf32>, vector<2048x1024xf32> -> vector<2048x1024xf32>
    %add3A_184 = vector.broadcast %get3A_181 : vector<1x1024xf32> to vector<2048x1024xf32>
    %add3A_185 = arith.addf %dot_general3A_183, %add3A_184 : vector<2048x1024xf32>
    %slice3A_186 = vector.extract_strided_slice %add3A_185 {offsets = [0, 0], sizes = [2048, 128], strides = [1, 1]} : vector<2048x1024xf32> to vector<2048x128xf32>
    %lt3A_187 = arith.cmpf olt, %slice3A_186, %min3A_172 : vector<2048x128xf32>
    %min3A_188 = arith.minimumf %slice3A_186, %min3A_172 : vector<2048x128xf32>
    %jit3A_189 = arith.constant 3.072000e+03 : f32
    %broadcast_in_dim3A_190 = vector.broadcast %jit3A_189 : f32 to vector<2048x128xf32>
    %select_n3A_191 = arith.select %lt3A_187, %broadcast_in_dim3A_190, %select_n3A_175 : vector<2048x128xi1>, vector<2048x128xf32>
    %slice3A_192 = vector.extract_strided_slice %add3A_185 {offsets = [0, 128], sizes = [2048, 128], strides = [1, 1]} : vector<2048x1024xf32> to vector<2048x128xf32>
    %lt3A_193 = arith.cmpf olt, %slice3A_192, %min3A_188 : vector<2048x128xf32>
    %min3A_194 = arith.minimumf %slice3A_192, %min3A_188 : vector<2048x128xf32>
    %jit3A_195 = arith.constant 3.200000e+03 : f32
    %broadcast_in_dim3A_196 = vector.broadcast %jit3A_195 : f32 to vector<2048x128xf32>
    %select_n3A_197 = arith.select %lt3A_193, %broadcast_in_dim3A_196, %select_n3A_191 : vector<2048x128xi1>, vector<2048x128xf32>
    %slice3A_198 = vector.extract_strided_slice %add3A_185 {offsets = [0, 256], sizes = [2048, 128], strides = [1, 1]} : vector<2048x1024xf32> to vector<2048x128xf32>
    %lt3A_199 = arith.cmpf olt, %slice3A_198, %min3A_194 : vector<2048x128xf32>
    %min3A_200 = arith.minimumf %slice3A_198, %min3A_194 : vector<2048x128xf32>
    %jit3A_201 = arith.constant 3.328000e+03 : f32
    %broadcast_in_dim3A_202 = vector.broadcast %jit3A_201 : f32 to vector<2048x128xf32>
    %select_n3A_203 = arith.select %lt3A_199, %broadcast_in_dim3A_202, %select_n3A_197 : vector<2048x128xi1>, vector<2048x128xf32>
    %slice3A_204 = vector.extract_strided_slice %add3A_185 {offsets = [0, 384], sizes = [2048, 128], strides = [1, 1]} : vector<2048x1024xf32> to vector<2048x128xf32>
    %lt3A_205 = arith.cmpf olt, %slice3A_204, %min3A_200 : vector<2048x128xf32>
    %min3A_206 = arith.minimumf %slice3A_204, %min3A_200 : vector<2048x128xf32>
    %jit3A_207 = arith.constant 3.456000e+03 : f32
    %broadcast_in_dim3A_208 = vector.broadcast %jit3A_207 : f32 to vector<2048x128xf32>
    %select_n3A_209 = arith.select %lt3A_205, %broadcast_in_dim3A_208, %select_n3A_203 : vector<2048x128xi1>, vector<2048x128xf32>
    %slice3A_210 = vector.extract_strided_slice %add3A_185 {offsets = [0, 512], sizes = [2048, 128], strides = [1, 1]} : vector<2048x1024xf32> to vector<2048x128xf32>
    %lt3A_211 = arith.cmpf olt, %slice3A_210, %min3A_206 : vector<2048x128xf32>
    %min3A_212 = arith.minimumf %slice3A_210, %min3A_206 : vector<2048x128xf32>
    %jit3A_213 = arith.constant 3.584000e+03 : f32
    %broadcast_in_dim3A_214 = vector.broadcast %jit3A_213 : f32 to vector<2048x128xf32>
    %select_n3A_215 = arith.select %lt3A_211, %broadcast_in_dim3A_214, %select_n3A_209 : vector<2048x128xi1>, vector<2048x128xf32>
    %slice3A_216 = vector.extract_strided_slice %add3A_185 {offsets = [0, 640], sizes = [2048, 128], strides = [1, 1]} : vector<2048x1024xf32> to vector<2048x128xf32>
    %lt3A_217 = arith.cmpf olt, %slice3A_216, %min3A_212 : vector<2048x128xf32>
    %min3A_218 = arith.minimumf %slice3A_216, %min3A_212 : vector<2048x128xf32>
    %jit3A_219 = arith.constant 3.712000e+03 : f32
    %broadcast_in_dim3A_220 = vector.broadcast %jit3A_219 : f32 to vector<2048x128xf32>
    %select_n3A_221 = arith.select %lt3A_217, %broadcast_in_dim3A_220, %select_n3A_215 : vector<2048x128xi1>, vector<2048x128xf32>
    %slice3A_222 = vector.extract_strided_slice %add3A_185 {offsets = [0, 768], sizes = [2048, 128], strides = [1, 1]} : vector<2048x1024xf32> to vector<2048x128xf32>
    %lt3A_223 = arith.cmpf olt, %slice3A_222, %min3A_218 : vector<2048x128xf32>
    %min3A_224 = arith.minimumf %slice3A_222, %min3A_218 : vector<2048x128xf32>
    %jit3A_225 = arith.constant 3.840000e+03 : f32
    %broadcast_in_dim3A_226 = vector.broadcast %jit3A_225 : f32 to vector<2048x128xf32>
    %select_n3A_227 = arith.select %lt3A_223, %broadcast_in_dim3A_226, %select_n3A_221 : vector<2048x128xi1>, vector<2048x128xf32>
    %slice3A_228 = vector.extract_strided_slice %add3A_185 {offsets = [0, 896], sizes = [2048, 128], strides = [1, 1]} : vector<2048x1024xf32> to vector<2048x128xf32>
    %lt3A_229 = arith.cmpf olt, %slice3A_228, %min3A_224 : vector<2048x128xf32>
    %min3A_230 = arith.minimumf %slice3A_228, %min3A_224 : vector<2048x128xf32>
    %jit3A_231 = arith.constant 3.968000e+03 : f32
    %broadcast_in_dim3A_232 = vector.broadcast %jit3A_231 : f32 to vector<2048x128xf32>
    %select_n3A_233 = arith.select %lt3A_229, %broadcast_in_dim3A_232, %select_n3A_227 : vector<2048x128xi1>, vector<2048x128xf32>
    %get3A_234 = arith.constant 4096 : index
    %get3A_235 = arith.constant 0 : index
    %get3A_236 = vector.load %arg2[%get3A_234, %get3A_235] : memref<8192x32xf32, #tpu.memory_space<vmem>>, vector<1024x32xf32>
    %get3A_237 = arith.constant 0 : index
    %get3A_238 = arith.constant 4096 : index
    %get3A_239 = vector.load %arg4[%get3A_237, %get3A_238] : memref<1x8192xf32, #tpu.memory_space<vmem>>, vector<1x1024xf32>
    %dot_general3A_240 = arith.constant dense<0.000000e+00> : vector<2048x1024xf32>
    %dot_general3A_241 = tpu.matmul %mul3A_5, %get3A_236, %dot_general3A_240 {dimension_numbers = #tpu.dot_dimension_numbers<[1], [1], [0], [0], [0, 0, 1, 0], [], []>, transpose_lhs_hint = false} : vector<2048x32xf32>, vector<1024x32xf32>, vector<2048x1024xf32> -> vector<2048x1024xf32>
    %add3A_242 = vector.broadcast %get3A_239 : vector<1x1024xf32> to vector<2048x1024xf32>
    %add3A_243 = arith.addf %dot_general3A_241, %add3A_242 : vector<2048x1024xf32>
    %slice3A_244 = vector.extract_strided_slice %add3A_243 {offsets = [0, 0], sizes = [2048, 128], strides = [1, 1]} : vector<2048x1024xf32> to vector<2048x128xf32>
    %lt3A_245 = arith.cmpf olt, %slice3A_244, %min3A_230 : vector<2048x128xf32>
    %min3A_246 = arith.minimumf %slice3A_244, %min3A_230 : vector<2048x128xf32>
    %jit3A_247 = arith.constant 4.096000e+03 : f32
    %broadcast_in_dim3A_248 = vector.broadcast %jit3A_247 : f32 to vector<2048x128xf32>
    %select_n3A_249 = arith.select %lt3A_245, %broadcast_in_dim3A_248, %select_n3A_233 : vector<2048x128xi1>, vector<2048x128xf32>
    %slice3A_250 = vector.extract_strided_slice %add3A_243 {offsets = [0, 128], sizes = [2048, 128], strides = [1, 1]} : vector<2048x1024xf32> to vector<2048x128xf32>
    %lt3A_251 = arith.cmpf olt, %slice3A_250, %min3A_246 : vector<2048x128xf32>
    %min3A_252 = arith.minimumf %slice3A_250, %min3A_246 : vector<2048x128xf32>
    %jit3A_253 = arith.constant 4.224000e+03 : f32
    %broadcast_in_dim3A_254 = vector.broadcast %jit3A_253 : f32 to vector<2048x128xf32>
    %select_n3A_255 = arith.select %lt3A_251, %broadcast_in_dim3A_254, %select_n3A_249 : vector<2048x128xi1>, vector<2048x128xf32>
    %slice3A_256 = vector.extract_strided_slice %add3A_243 {offsets = [0, 256], sizes = [2048, 128], strides = [1, 1]} : vector<2048x1024xf32> to vector<2048x128xf32>
    %lt3A_257 = arith.cmpf olt, %slice3A_256, %min3A_252 : vector<2048x128xf32>
    %min3A_258 = arith.minimumf %slice3A_256, %min3A_252 : vector<2048x128xf32>
    %jit3A_259 = arith.constant 4.352000e+03 : f32
    %broadcast_in_dim3A_260 = vector.broadcast %jit3A_259 : f32 to vector<2048x128xf32>
    %select_n3A_261 = arith.select %lt3A_257, %broadcast_in_dim3A_260, %select_n3A_255 : vector<2048x128xi1>, vector<2048x128xf32>
    %slice3A_262 = vector.extract_strided_slice %add3A_243 {offsets = [0, 384], sizes = [2048, 128], strides = [1, 1]} : vector<2048x1024xf32> to vector<2048x128xf32>
    %lt3A_263 = arith.cmpf olt, %slice3A_262, %min3A_258 : vector<2048x128xf32>
    %min3A_264 = arith.minimumf %slice3A_262, %min3A_258 : vector<2048x128xf32>
    %jit3A_265 = arith.constant 4.480000e+03 : f32
    %broadcast_in_dim3A_266 = vector.broadcast %jit3A_265 : f32 to vector<2048x128xf32>
    %select_n3A_267 = arith.select %lt3A_263, %broadcast_in_dim3A_266, %select_n3A_261 : vector<2048x128xi1>, vector<2048x128xf32>
    %slice3A_268 = vector.extract_strided_slice %add3A_243 {offsets = [0, 512], sizes = [2048, 128], strides = [1, 1]} : vector<2048x1024xf32> to vector<2048x128xf32>
    %lt3A_269 = arith.cmpf olt, %slice3A_268, %min3A_264 : vector<2048x128xf32>
    %min3A_270 = arith.minimumf %slice3A_268, %min3A_264 : vector<2048x128xf32>
    %jit3A_271 = arith.constant 4.608000e+03 : f32
    %broadcast_in_dim3A_272 = vector.broadcast %jit3A_271 : f32 to vector<2048x128xf32>
    %select_n3A_273 = arith.select %lt3A_269, %broadcast_in_dim3A_272, %select_n3A_267 : vector<2048x128xi1>, vector<2048x128xf32>
    %slice3A_274 = vector.extract_strided_slice %add3A_243 {offsets = [0, 640], sizes = [2048, 128], strides = [1, 1]} : vector<2048x1024xf32> to vector<2048x128xf32>
    %lt3A_275 = arith.cmpf olt, %slice3A_274, %min3A_270 : vector<2048x128xf32>
    %min3A_276 = arith.minimumf %slice3A_274, %min3A_270 : vector<2048x128xf32>
    %jit3A_277 = arith.constant 4.736000e+03 : f32
    %broadcast_in_dim3A_278 = vector.broadcast %jit3A_277 : f32 to vector<2048x128xf32>
    %select_n3A_279 = arith.select %lt3A_275, %broadcast_in_dim3A_278, %select_n3A_273 : vector<2048x128xi1>, vector<2048x128xf32>
    %slice3A_280 = vector.extract_strided_slice %add3A_243 {offsets = [0, 768], sizes = [2048, 128], strides = [1, 1]} : vector<2048x1024xf32> to vector<2048x128xf32>
    %lt3A_281 = arith.cmpf olt, %slice3A_280, %min3A_276 : vector<2048x128xf32>
    %min3A_282 = arith.minimumf %slice3A_280, %min3A_276 : vector<2048x128xf32>
    %jit3A_283 = arith.constant 4.864000e+03 : f32
    %broadcast_in_dim3A_284 = vector.broadcast %jit3A_283 : f32 to vector<2048x128xf32>
    %select_n3A_285 = arith.select %lt3A_281, %broadcast_in_dim3A_284, %select_n3A_279 : vector<2048x128xi1>, vector<2048x128xf32>
    %slice3A_286 = vector.extract_strided_slice %add3A_243 {offsets = [0, 896], sizes = [2048, 128], strides = [1, 1]} : vector<2048x1024xf32> to vector<2048x128xf32>
    %lt3A_287 = arith.cmpf olt, %slice3A_286, %min3A_282 : vector<2048x128xf32>
    %min3A_288 = arith.minimumf %slice3A_286, %min3A_282 : vector<2048x128xf32>
    %jit3A_289 = arith.constant 4.992000e+03 : f32
    %broadcast_in_dim3A_290 = vector.broadcast %jit3A_289 : f32 to vector<2048x128xf32>
    %select_n3A_291 = arith.select %lt3A_287, %broadcast_in_dim3A_290, %select_n3A_285 : vector<2048x128xi1>, vector<2048x128xf32>
    %get3A_292 = arith.constant 5120 : index
    %get3A_293 = arith.constant 0 : index
    %get3A_294 = vector.load %arg2[%get3A_292, %get3A_293] : memref<8192x32xf32, #tpu.memory_space<vmem>>, vector<1024x32xf32>
    %get3A_295 = arith.constant 0 : index
    %get3A_296 = arith.constant 5120 : index
    %get3A_297 = vector.load %arg4[%get3A_295, %get3A_296] : memref<1x8192xf32, #tpu.memory_space<vmem>>, vector<1x1024xf32>
    %dot_general3A_298 = arith.constant dense<0.000000e+00> : vector<2048x1024xf32>
    %dot_general3A_299 = tpu.matmul %mul3A_5, %get3A_294, %dot_general3A_298 {dimension_numbers = #tpu.dot_dimension_numbers<[1], [1], [0], [0], [0, 0, 1, 0], [], []>, transpose_lhs_hint = false} : vector<2048x32xf32>, vector<1024x32xf32>, vector<2048x1024xf32> -> vector<2048x1024xf32>
    %add3A_300 = vector.broadcast %get3A_297 : vector<1x1024xf32> to vector<2048x1024xf32>
    %add3A_301 = arith.addf %dot_general3A_299, %add3A_300 : vector<2048x1024xf32>
    %slice3A_302 = vector.extract_strided_slice %add3A_301 {offsets = [0, 0], sizes = [2048, 128], strides = [1, 1]} : vector<2048x1024xf32> to vector<2048x128xf32>
    %lt3A_303 = arith.cmpf olt, %slice3A_302, %min3A_288 : vector<2048x128xf32>
    %min3A_304 = arith.minimumf %slice3A_302, %min3A_288 : vector<2048x128xf32>
    %jit3A_305 = arith.constant 5.120000e+03 : f32
    %broadcast_in_dim3A_306 = vector.broadcast %jit3A_305 : f32 to vector<2048x128xf32>
    %select_n3A_307 = arith.select %lt3A_303, %broadcast_in_dim3A_306, %select_n3A_291 : vector<2048x128xi1>, vector<2048x128xf32>
    %slice3A_308 = vector.extract_strided_slice %add3A_301 {offsets = [0, 128], sizes = [2048, 128], strides = [1, 1]} : vector<2048x1024xf32> to vector<2048x128xf32>
    %lt3A_309 = arith.cmpf olt, %slice3A_308, %min3A_304 : vector<2048x128xf32>
    %min3A_310 = arith.minimumf %slice3A_308, %min3A_304 : vector<2048x128xf32>
    %jit3A_311 = arith.constant 5.248000e+03 : f32
    %broadcast_in_dim3A_312 = vector.broadcast %jit3A_311 : f32 to vector<2048x128xf32>
    %select_n3A_313 = arith.select %lt3A_309, %broadcast_in_dim3A_312, %select_n3A_307 : vector<2048x128xi1>, vector<2048x128xf32>
    %slice3A_314 = vector.extract_strided_slice %add3A_301 {offsets = [0, 256], sizes = [2048, 128], strides = [1, 1]} : vector<2048x1024xf32> to vector<2048x128xf32>
    %lt3A_315 = arith.cmpf olt, %slice3A_314, %min3A_310 : vector<2048x128xf32>
    %min3A_316 = arith.minimumf %slice3A_314, %min3A_310 : vector<2048x128xf32>
    %jit3A_317 = arith.constant 5.376000e+03 : f32
    %broadcast_in_dim3A_318 = vector.broadcast %jit3A_317 : f32 to vector<2048x128xf32>
    %select_n3A_319 = arith.select %lt3A_315, %broadcast_in_dim3A_318, %select_n3A_313 : vector<2048x128xi1>, vector<2048x128xf32>
    %slice3A_320 = vector.extract_strided_slice %add3A_301 {offsets = [0, 384], sizes = [2048, 128], strides = [1, 1]} : vector<2048x1024xf32> to vector<2048x128xf32>
    %lt3A_321 = arith.cmpf olt, %slice3A_320, %min3A_316 : vector<2048x128xf32>
    %min3A_322 = arith.minimumf %slice3A_320, %min3A_316 : vector<2048x128xf32>
    %jit3A_323 = arith.constant 5.504000e+03 : f32
    %broadcast_in_dim3A_324 = vector.broadcast %jit3A_323 : f32 to vector<2048x128xf32>
    %select_n3A_325 = arith.select %lt3A_321, %broadcast_in_dim3A_324, %select_n3A_319 : vector<2048x128xi1>, vector<2048x128xf32>
    %slice3A_326 = vector.extract_strided_slice %add3A_301 {offsets = [0, 512], sizes = [2048, 128], strides = [1, 1]} : vector<2048x1024xf32> to vector<2048x128xf32>
    %lt3A_327 = arith.cmpf olt, %slice3A_326, %min3A_322 : vector<2048x128xf32>
    %min3A_328 = arith.minimumf %slice3A_326, %min3A_322 : vector<2048x128xf32>
    %jit3A_329 = arith.constant 5.632000e+03 : f32
    %broadcast_in_dim3A_330 = vector.broadcast %jit3A_329 : f32 to vector<2048x128xf32>
    %select_n3A_331 = arith.select %lt3A_327, %broadcast_in_dim3A_330, %select_n3A_325 : vector<2048x128xi1>, vector<2048x128xf32>
    %slice3A_332 = vector.extract_strided_slice %add3A_301 {offsets = [0, 640], sizes = [2048, 128], strides = [1, 1]} : vector<2048x1024xf32> to vector<2048x128xf32>
    %lt3A_333 = arith.cmpf olt, %slice3A_332, %min3A_328 : vector<2048x128xf32>
    %min3A_334 = arith.minimumf %slice3A_332, %min3A_328 : vector<2048x128xf32>
    %jit3A_335 = arith.constant 5.760000e+03 : f32
    %broadcast_in_dim3A_336 = vector.broadcast %jit3A_335 : f32 to vector<2048x128xf32>
    %select_n3A_337 = arith.select %lt3A_333, %broadcast_in_dim3A_336, %select_n3A_331 : vector<2048x128xi1>, vector<2048x128xf32>
    %slice3A_338 = vector.extract_strided_slice %add3A_301 {offsets = [0, 768], sizes = [2048, 128], strides = [1, 1]} : vector<2048x1024xf32> to vector<2048x128xf32>
    %lt3A_339 = arith.cmpf olt, %slice3A_338, %min3A_334 : vector<2048x128xf32>
    %min3A_340 = arith.minimumf %slice3A_338, %min3A_334 : vector<2048x128xf32>
    %jit3A_341 = arith.constant 5.888000e+03 : f32
    %broadcast_in_dim3A_342 = vector.broadcast %jit3A_341 : f32 to vector<2048x128xf32>
    %select_n3A_343 = arith.select %lt3A_339, %broadcast_in_dim3A_342, %select_n3A_337 : vector<2048x128xi1>, vector<2048x128xf32>
    %slice3A_344 = vector.extract_strided_slice %add3A_301 {offsets = [0, 896], sizes = [2048, 128], strides = [1, 1]} : vector<2048x1024xf32> to vector<2048x128xf32>
    %lt3A_345 = arith.cmpf olt, %slice3A_344, %min3A_340 : vector<2048x128xf32>
    %min3A_346 = arith.minimumf %slice3A_344, %min3A_340 : vector<2048x128xf32>
    %jit3A_347 = arith.constant 6.016000e+03 : f32
    %broadcast_in_dim3A_348 = vector.broadcast %jit3A_347 : f32 to vector<2048x128xf32>
    %select_n3A_349 = arith.select %lt3A_345, %broadcast_in_dim3A_348, %select_n3A_343 : vector<2048x128xi1>, vector<2048x128xf32>
    %get3A_350 = arith.constant 6144 : index
    %get3A_351 = arith.constant 0 : index
    %get3A_352 = vector.load %arg2[%get3A_350, %get3A_351] : memref<8192x32xf32, #tpu.memory_space<vmem>>, vector<1024x32xf32>
    %get3A_353 = arith.constant 0 : index
    %get3A_354 = arith.constant 6144 : index
    %get3A_355 = vector.load %arg4[%get3A_353, %get3A_354] : memref<1x8192xf32, #tpu.memory_space<vmem>>, vector<1x1024xf32>
    %dot_general3A_356 = arith.constant dense<0.000000e+00> : vector<2048x1024xf32>
    %dot_general3A_357 = tpu.matmul %mul3A_5, %get3A_352, %dot_general3A_356 {dimension_numbers = #tpu.dot_dimension_numbers<[1], [1], [0], [0], [0, 0, 1, 0], [], []>, transpose_lhs_hint = false} : vector<2048x32xf32>, vector<1024x32xf32>, vector<2048x1024xf32> -> vector<2048x1024xf32>
    %add3A_358 = vector.broadcast %get3A_355 : vector<1x1024xf32> to vector<2048x1024xf32>
    %add3A_359 = arith.addf %dot_general3A_357, %add3A_358 : vector<2048x1024xf32>
    %slice3A_360 = vector.extract_strided_slice %add3A_359 {offsets = [0, 0], sizes = [2048, 128], strides = [1, 1]} : vector<2048x1024xf32> to vector<2048x128xf32>
    %lt3A_361 = arith.cmpf olt, %slice3A_360, %min3A_346 : vector<2048x128xf32>
    %min3A_362 = arith.minimumf %slice3A_360, %min3A_346 : vector<2048x128xf32>
    %jit3A_363 = arith.constant 6.144000e+03 : f32
    %broadcast_in_dim3A_364 = vector.broadcast %jit3A_363 : f32 to vector<2048x128xf32>
    %select_n3A_365 = arith.select %lt3A_361, %broadcast_in_dim3A_364, %select_n3A_349 : vector<2048x128xi1>, vector<2048x128xf32>
    %slice3A_366 = vector.extract_strided_slice %add3A_359 {offsets = [0, 128], sizes = [2048, 128], strides = [1, 1]} : vector<2048x1024xf32> to vector<2048x128xf32>
    %lt3A_367 = arith.cmpf olt, %slice3A_366, %min3A_362 : vector<2048x128xf32>
    %min3A_368 = arith.minimumf %slice3A_366, %min3A_362 : vector<2048x128xf32>
    %jit3A_369 = arith.constant 6.272000e+03 : f32
    %broadcast_in_dim3A_370 = vector.broadcast %jit3A_369 : f32 to vector<2048x128xf32>
    %select_n3A_371 = arith.select %lt3A_367, %broadcast_in_dim3A_370, %select_n3A_365 : vector<2048x128xi1>, vector<2048x128xf32>
    %slice3A_372 = vector.extract_strided_slice %add3A_359 {offsets = [0, 256], sizes = [2048, 128], strides = [1, 1]} : vector<2048x1024xf32> to vector<2048x128xf32>
    %lt3A_373 = arith.cmpf olt, %slice3A_372, %min3A_368 : vector<2048x128xf32>
    %min3A_374 = arith.minimumf %slice3A_372, %min3A_368 : vector<2048x128xf32>
    %jit3A_375 = arith.constant 6.400000e+03 : f32
    %broadcast_in_dim3A_376 = vector.broadcast %jit3A_375 : f32 to vector<2048x128xf32>
    %select_n3A_377 = arith.select %lt3A_373, %broadcast_in_dim3A_376, %select_n3A_371 : vector<2048x128xi1>, vector<2048x128xf32>
    %slice3A_378 = vector.extract_strided_slice %add3A_359 {offsets = [0, 384], sizes = [2048, 128], strides = [1, 1]} : vector<2048x1024xf32> to vector<2048x128xf32>
    %lt3A_379 = arith.cmpf olt, %slice3A_378, %min3A_374 : vector<2048x128xf32>
    %min3A_380 = arith.minimumf %slice3A_378, %min3A_374 : vector<2048x128xf32>
    %jit3A_381 = arith.constant 6.528000e+03 : f32
    %broadcast_in_dim3A_382 = vector.broadcast %jit3A_381 : f32 to vector<2048x128xf32>
    %select_n3A_383 = arith.select %lt3A_379, %broadcast_in_dim3A_382, %select_n3A_377 : vector<2048x128xi1>, vector<2048x128xf32>
    %slice3A_384 = vector.extract_strided_slice %add3A_359 {offsets = [0, 512], sizes = [2048, 128], strides = [1, 1]} : vector<2048x1024xf32> to vector<2048x128xf32>
    %lt3A_385 = arith.cmpf olt, %slice3A_384, %min3A_380 : vector<2048x128xf32>
    %min3A_386 = arith.minimumf %slice3A_384, %min3A_380 : vector<2048x128xf32>
    %jit3A_387 = arith.constant 6.656000e+03 : f32
    %broadcast_in_dim3A_388 = vector.broadcast %jit3A_387 : f32 to vector<2048x128xf32>
    %select_n3A_389 = arith.select %lt3A_385, %broadcast_in_dim3A_388, %select_n3A_383 : vector<2048x128xi1>, vector<2048x128xf32>
    %slice3A_390 = vector.extract_strided_slice %add3A_359 {offsets = [0, 640], sizes = [2048, 128], strides = [1, 1]} : vector<2048x1024xf32> to vector<2048x128xf32>
    %lt3A_391 = arith.cmpf olt, %slice3A_390, %min3A_386 : vector<2048x128xf32>
    %min3A_392 = arith.minimumf %slice3A_390, %min3A_386 : vector<2048x128xf32>
    %jit3A_393 = arith.constant 6.784000e+03 : f32
    %broadcast_in_dim3A_394 = vector.broadcast %jit3A_393 : f32 to vector<2048x128xf32>
    %select_n3A_395 = arith.select %lt3A_391, %broadcast_in_dim3A_394, %select_n3A_389 : vector<2048x128xi1>, vector<2048x128xf32>
    %slice3A_396 = vector.extract_strided_slice %add3A_359 {offsets = [0, 768], sizes = [2048, 128], strides = [1, 1]} : vector<2048x1024xf32> to vector<2048x128xf32>
    %lt3A_397 = arith.cmpf olt, %slice3A_396, %min3A_392 : vector<2048x128xf32>
    %min3A_398 = arith.minimumf %slice3A_396, %min3A_392 : vector<2048x128xf32>
    %jit3A_399 = arith.constant 6.912000e+03 : f32
    %broadcast_in_dim3A_400 = vector.broadcast %jit3A_399 : f32 to vector<2048x128xf32>
    %select_n3A_401 = arith.select %lt3A_397, %broadcast_in_dim3A_400, %select_n3A_395 : vector<2048x128xi1>, vector<2048x128xf32>
    %slice3A_402 = vector.extract_strided_slice %add3A_359 {offsets = [0, 896], sizes = [2048, 128], strides = [1, 1]} : vector<2048x1024xf32> to vector<2048x128xf32>
    %lt3A_403 = arith.cmpf olt, %slice3A_402, %min3A_398 : vector<2048x128xf32>
    %min3A_404 = arith.minimumf %slice3A_402, %min3A_398 : vector<2048x128xf32>
    %jit3A_405 = arith.constant 7.040000e+03 : f32
    %broadcast_in_dim3A_406 = vector.broadcast %jit3A_405 : f32 to vector<2048x128xf32>
    %select_n3A_407 = arith.select %lt3A_403, %broadcast_in_dim3A_406, %select_n3A_401 : vector<2048x128xi1>, vector<2048x128xf32>
    %get3A_408 = arith.constant 7168 : index
    %get3A_409 = arith.constant 0 : index
    %get3A_410 = vector.load %arg2[%get3A_408, %get3A_409] : memref<8192x32xf32, #tpu.memory_space<vmem>>, vector<1024x32xf32>
    %get3A_411 = arith.constant 0 : index
    %get3A_412 = arith.constant 7168 : index
    %get3A_413 = vector.load %arg4[%get3A_411, %get3A_412] : memref<1x8192xf32, #tpu.memory_space<vmem>>, vector<1x1024xf32>
    %dot_general3A_414 = arith.constant dense<0.000000e+00> : vector<2048x1024xf32>
    %dot_general3A_415 = tpu.matmul %mul3A_5, %get3A_410, %dot_general3A_414 {dimension_numbers = #tpu.dot_dimension_numbers<[1], [1], [0], [0], [0, 0, 1, 0], [], []>, transpose_lhs_hint = false} : vector<2048x32xf32>, vector<1024x32xf32>, vector<2048x1024xf32> -> vector<2048x1024xf32>
    %add3A_416 = vector.broadcast %get3A_413 : vector<1x1024xf32> to vector<2048x1024xf32>
    %add3A_417 = arith.addf %dot_general3A_415, %add3A_416 : vector<2048x1024xf32>
    %slice3A_418 = vector.extract_strided_slice %add3A_417 {offsets = [0, 0], sizes = [2048, 128], strides = [1, 1]} : vector<2048x1024xf32> to vector<2048x128xf32>
    %lt3A_419 = arith.cmpf olt, %slice3A_418, %min3A_404 : vector<2048x128xf32>
    %min3A_420 = arith.minimumf %slice3A_418, %min3A_404 : vector<2048x128xf32>
    %jit3A_421 = arith.constant 7.168000e+03 : f32
    %broadcast_in_dim3A_422 = vector.broadcast %jit3A_421 : f32 to vector<2048x128xf32>
    %select_n3A_423 = arith.select %lt3A_419, %broadcast_in_dim3A_422, %select_n3A_407 : vector<2048x128xi1>, vector<2048x128xf32>
    %slice3A_424 = vector.extract_strided_slice %add3A_417 {offsets = [0, 128], sizes = [2048, 128], strides = [1, 1]} : vector<2048x1024xf32> to vector<2048x128xf32>
    %lt3A_425 = arith.cmpf olt, %slice3A_424, %min3A_420 : vector<2048x128xf32>
    %min3A_426 = arith.minimumf %slice3A_424, %min3A_420 : vector<2048x128xf32>
    %jit3A_427 = arith.constant 7.296000e+03 : f32
    %broadcast_in_dim3A_428 = vector.broadcast %jit3A_427 : f32 to vector<2048x128xf32>
    %select_n3A_429 = arith.select %lt3A_425, %broadcast_in_dim3A_428, %select_n3A_423 : vector<2048x128xi1>, vector<2048x128xf32>
    %slice3A_430 = vector.extract_strided_slice %add3A_417 {offsets = [0, 256], sizes = [2048, 128], strides = [1, 1]} : vector<2048x1024xf32> to vector<2048x128xf32>
    %lt3A_431 = arith.cmpf olt, %slice3A_430, %min3A_426 : vector<2048x128xf32>
    %min3A_432 = arith.minimumf %slice3A_430, %min3A_426 : vector<2048x128xf32>
    %jit3A_433 = arith.constant 7.424000e+03 : f32
    %broadcast_in_dim3A_434 = vector.broadcast %jit3A_433 : f32 to vector<2048x128xf32>
    %select_n3A_435 = arith.select %lt3A_431, %broadcast_in_dim3A_434, %select_n3A_429 : vector<2048x128xi1>, vector<2048x128xf32>
    %slice3A_436 = vector.extract_strided_slice %add3A_417 {offsets = [0, 384], sizes = [2048, 128], strides = [1, 1]} : vector<2048x1024xf32> to vector<2048x128xf32>
    %lt3A_437 = arith.cmpf olt, %slice3A_436, %min3A_432 : vector<2048x128xf32>
    %min3A_438 = arith.minimumf %slice3A_436, %min3A_432 : vector<2048x128xf32>
    %jit3A_439 = arith.constant 7.552000e+03 : f32
    %broadcast_in_dim3A_440 = vector.broadcast %jit3A_439 : f32 to vector<2048x128xf32>
    %select_n3A_441 = arith.select %lt3A_437, %broadcast_in_dim3A_440, %select_n3A_435 : vector<2048x128xi1>, vector<2048x128xf32>
    %slice3A_442 = vector.extract_strided_slice %add3A_417 {offsets = [0, 512], sizes = [2048, 128], strides = [1, 1]} : vector<2048x1024xf32> to vector<2048x128xf32>
    %lt3A_443 = arith.cmpf olt, %slice3A_442, %min3A_438 : vector<2048x128xf32>
    %min3A_444 = arith.minimumf %slice3A_442, %min3A_438 : vector<2048x128xf32>
    %jit3A_445 = arith.constant 7.680000e+03 : f32
    %broadcast_in_dim3A_446 = vector.broadcast %jit3A_445 : f32 to vector<2048x128xf32>
    %select_n3A_447 = arith.select %lt3A_443, %broadcast_in_dim3A_446, %select_n3A_441 : vector<2048x128xi1>, vector<2048x128xf32>
    %slice3A_448 = vector.extract_strided_slice %add3A_417 {offsets = [0, 640], sizes = [2048, 128], strides = [1, 1]} : vector<2048x1024xf32> to vector<2048x128xf32>
    %lt3A_449 = arith.cmpf olt, %slice3A_448, %min3A_444 : vector<2048x128xf32>
    %min3A_450 = arith.minimumf %slice3A_448, %min3A_444 : vector<2048x128xf32>
    %jit3A_451 = arith.constant 7.808000e+03 : f32
    %broadcast_in_dim3A_452 = vector.broadcast %jit3A_451 : f32 to vector<2048x128xf32>
    %select_n3A_453 = arith.select %lt3A_449, %broadcast_in_dim3A_452, %select_n3A_447 : vector<2048x128xi1>, vector<2048x128xf32>
    %slice3A_454 = vector.extract_strided_slice %add3A_417 {offsets = [0, 768], sizes = [2048, 128], strides = [1, 1]} : vector<2048x1024xf32> to vector<2048x128xf32>
    %lt3A_455 = arith.cmpf olt, %slice3A_454, %min3A_450 : vector<2048x128xf32>
    %min3A_456 = arith.minimumf %slice3A_454, %min3A_450 : vector<2048x128xf32>
    %jit3A_457 = arith.constant 7.936000e+03 : f32
    %broadcast_in_dim3A_458 = vector.broadcast %jit3A_457 : f32 to vector<2048x128xf32>
    %select_n3A_459 = arith.select %lt3A_455, %broadcast_in_dim3A_458, %select_n3A_453 : vector<2048x128xi1>, vector<2048x128xf32>
    %slice3A_460 = vector.extract_strided_slice %add3A_417 {offsets = [0, 896], sizes = [2048, 128], strides = [1, 1]} : vector<2048x1024xf32> to vector<2048x128xf32>
    %lt3A_461 = arith.cmpf olt, %slice3A_460, %min3A_456 : vector<2048x128xf32>
    %min3A_462 = arith.minimumf %slice3A_460, %min3A_456 : vector<2048x128xf32>
    %jit3A_463 = arith.constant 8.064000e+03 : f32
    %broadcast_in_dim3A_464 = vector.broadcast %jit3A_463 : f32 to vector<2048x128xf32>
    %select_n3A_465 = arith.select %lt3A_461, %broadcast_in_dim3A_464, %select_n3A_459 : vector<2048x128xi1>, vector<2048x128xf32>
    %get3A_466 = arith.constant 0 : index
    %get3A_467 = arith.constant 0 : index
    %get3A_468 = vector.load %arg5[%get3A_466, %get3A_467] : memref<2048x128xf32, #tpu.memory_space<vmem>>, vector<2048x128xf32>
    %add3A_469 = arith.addf %select_n3A_465, %get3A_468 : vector<2048x128xf32>
    %reduce_min3A = arith.constant dense<0x7F800000> : vector<2048xf32>
    %reduce_min3A_470 = vector.multi_reduction <minimumf>, %min3A_462, %reduce_min3A [1] : vector<2048x128xf32> to vector<2048xf32>
    %broadcast_in_dim3A_471 = vector.shape_cast %reduce_min3A_470 : vector<2048xf32> to vector<2048x1xf32>
    %eq3A_472 = vector.broadcast %broadcast_in_dim3A_471 : vector<2048x1xf32> to vector<2048x128xf32>
    %eq3A_473 = arith.cmpf oeq, %min3A_462, %eq3A_472 : vector<2048x128xf32>
    %jit3A_474 = arith.constant 8.192000e+03 : f32
    %broadcast_in_dim3A_475 = vector.broadcast %jit3A_474 : f32 to vector<2048x128xf32>
    %select_n3A_476 = arith.select %eq3A_473, %add3A_469, %broadcast_in_dim3A_475 : vector<2048x128xi1>, vector<2048x128xf32>
    %reduce_min3A_477 = arith.constant dense<0x7F800000> : vector<2048xf32>
    %reduce_min3A_478 = vector.multi_reduction <minimumf>, %select_n3A_476, %reduce_min3A_477 [1] : vector<2048x128xf32> to vector<2048xf32>
    %convert_element_type3A_479 = arith.fptosi %reduce_min3A_478 : vector<2048xf32> to vector<2048xi32>
    %reshape3A = vector.shape_cast %convert_element_type3A_479 : vector<2048xi32> to vector<1x1x2048xi32>
    %swap3A = arith.constant 0 : index
    %swap3A_480 = arith.constant 0 : index
    %swap3A_481 = arith.constant 0 : index
    %swap3A_482 = vector.load %arg3[%swap3A, %swap3A_480, %swap3A_481] : memref<1x1x2048xi32, #tpu.memory_space<vmem>>, vector<1x1x2048xi32>
    tpu.vector_store %arg3[%swap3A, %swap3A_480, %swap3A_481], %reshape3A {strides = array<i32>} : memref<1x1x2048xi32, #tpu.memory_space<vmem>>, vector<1x1x2048xi32>,
    return
  }
  func.func @transform_0(%arg0: i32) -> (i32, i32) {
    %c0_i32 = arith.constant 0 : i32
    %c0_i32_0 = arith.constant 0 : i32
    return %arg0, %c0_i32 : i32, i32
  }
  func.func @transform_1(%arg0: i32) -> (i32, i32) {
    %c0_i32 = arith.constant 0 : i32
    %c0_i32_0 = arith.constant 0 : i32
    %c0_i32_1 = arith.constant 0 : i32
    return %c0_i32, %c0_i32_0 : i32, i32
  }
  func.func @transform_2(%arg0: i32) -> (i32, i32, i32) {
    %c0_i32 = arith.constant 0 : i32
    %c0_i32_0 = arith.constant 0 : i32
    %c0_i32_1 = arith.constant 0 : i32
    return %arg0, %c0_i32, %c0_i32_0 : i32, i32, i32
  }
}

</mosaic_0001>

<sc_bundles>
// kernel: kernel.4.cloned.1.call-start
scs
__scs_entry_jumppad:
0x0: {  	(pc) =	sbr.rel $0x88, $3  }
0x1: {  	(tag) =	ssettag $0x0;
	lr =	simm.s32 $0x1  }
0x2: {  	[smem:$0x3F9F] =	sst lr;
	_ =	strace $0xD0000000  }
0x3: {  	_ = 	snop  }
0x4: {  	_ = 	snop  }
0x5: {  	_ = 	snop  }
0x6: {  	_ = 	snop  }
0x7: {  	_ = 	snop  }
__scs_overlays_trampoline_lowered:
0x8: {  	[smem:$0x3FAE] =	sst s0  }
0x9: {  	[smem:$0x3FAF] =	sst s1  }
0xa: {  	[smem:$0x3FB0] =	sst s2  }
0xb: {  	[smem:$0x3FB1] =	sst s3  }
0xc: {  	[smem:$0x3FB2] =	sst s4  }
0xd: {  	[smem:$0x3FB3] =	sst s5  }
0xe: {  	[smem:$0x3FB4] =	sst s6  }
0xf: {  	[smem:$0x3FB5] =	sst s7  }
0x10: {  	[smem:$0x3FB6] =	sst s8  }
0x11: {  	[smem:$0x3FB7] =	sst s9;
	s0 =	simm.s32 @!p0 $0x0  }
0x12: {  	s1 =	sld [smem:$0x3F9D];
	s0 =	simm.s32 @p0 $0x1  }
0x13: {  	[smem:$0x3FB8] =	sst s0;
	s0 =	simm.s32 @!p1 $0x0  }
0x14: {  	s2 =	sld [smem:$0x3F9C];
	s0 =	simm.s32 @p1 $0x1  }
0x15: {  	[smem:$0x3FB9] =	sst s0;
	s0 =	simm.s32 @!p2 $0x0  }
0x16: {  	s3 =	sld [smem:$0x3FDB];
	s0 =	simm.s32 @p2 $0x1  }
0x17: {  	s4 =	simm.s32 $0x1BF5;
	[smem:$0x3FBB] =	sst s0  }
0x18: {  	s0 =	sld [smem:$0x3F9E];
	_ =	swait.ge [sflag:s4], $0x0  }
0x19: {  	s7 =	sld [smem:$0x3F9F]  }
0x1a: {  	s8 =	sadd.s32 $0xFFFFE003, lr  }
0x1b: {  	s9 =	sadd.s32 $0xFFFFFEF7, lr;
	s5 =	simm.s32 $0xFFFFFFFF;
	p2 =	slt.u32 s8, $0xFFFFF086  }
0x1c: {  	p1 =	slt.u32 s9, $0xF7A;
	s5 =	simm.s32 @!p2 $0x0  }
0x1d: {  	s5 =	simm.s32 @p1 $0x1;
	p0 =	seq.s32 s7, s2  }
0x1e: {  	s7 =	smul.u32 @!p0 $0xF7A, s2;
	p2 =	seq.s32 @!p0 s5, $0x0  }
0x1f: {  	s9 =	smul.u32 $0xF7A, s1;
	s8 =	simm.s32 @!p0 $0x1BF5;
	p2 =	por !p2, p0  }
0x20: {  	[sflag:s8] =	ssyncset.s32 @!p0 $0xFFFFF086;
	s6 =	sadd.s32 @!p0 s3, s7;
	s7 =	simm.s32 @!p0 $0x108  }
0x21: {  	s3 =	sadd.s32 s3, s9;
	s6 =	sadd.s32 @!p0 $0x88, s6;
	s7 =	simm.s32 @p2 $0x1082  }
0x22: {  	[simem:s7], [sflag:s8] =	dma.local @!p0 [hbm:s6], $0xF7A  }
0x23: {  	s9 =	sor.u32 $0xD0000000, s2;
	s6 =	simm.s32 $0x108;
	_ =	swait.ge @!p0 [sflag:s8], $0x0  }
0x24: {  	s3 =	sadd.s32 $0x88, s3;
	s6 =	simm.s32 @!p1 $0x1082;
	[sflag:s4] =	ssyncset.s32 $0xFFFFF086  }
0x25: {  	[simem:s6], [sflag:s4] =	dma.local [hbm:s3], $0xF7A  }
0x26: {  	[smem:$0x3F9F] =	sst s1;
	(tag) =	ssettag s2;
	_ =	strace s9  }
0x27: {  	s1 =	sld [smem:$0x3FAF]  }
0x28: {  	s2 =	sld [smem:$0x3FB0]  }
0x29: {  	s4 =	sld [smem:$0x3FB2]  }
0x2a: {  	p0 =	seq.s32 s5, $0x0;
	s5 =	sld [smem:$0x3FB3]  }
0x2b: {  	s6 =	sld [smem:$0x3FB4]  }
0x2c: {  	s7 =	sld [smem:$0x3FB5]  }
0x2d: {  	s3 =	simm.s32 $0x108;
	s8 =	sld [smem:$0x3FB6]  }
0x2e: {  	s3 =	simm.s32 @!p0 $0x1082;
	s9 =	sld [smem:$0x3FB7]  }
0x2f: {  	lr =	sadd.s32 s0, s3;
	s0 =	sld [smem:$0x3FAE]  }
0x30: {  	s3 =	sld [smem:$0x3FB1]  }
0x31: {  	[smem:$0x3FBA] =	sst s10  }
0x32: {  	s10 =	sld [smem:$0x3FB8];
	_ =	sdelay $0x3  }
0x33: {  	p0 =	seq.s32 s10, $0x1;
	s10 =	sld [smem:$0x3FBA];
	_ =	sdelay $0x3  }
0x34: {  	[smem:$0x3FBA] =	sst s10  }
0x35: {  	s10 =	sld [smem:$0x3FB9];
	_ =	sdelay $0x3  }
0x36: {  	p1 =	seq.s32 s10, $0x1;
	s10 =	sld [smem:$0x3FBA];
	_ =	sdelay $0x3  }
0x37: {  	[smem:$0x3FBA] =	sst s10  }
0x38: {  	s10 =	sld [smem:$0x3FBB]  }
0x39: {  	_ = 	snop;
	(pc) =	sbr.ind lr, $3  }
0x3a: {  	_ = 	snop  }
0x3b: {  	_ = 	snop  }
0x3c: {  	p2 =	seq.s32 s10, $0x1;
	s10 =	sld [smem:$0x3FBA]  }
0x3d: {  	_ =	shalt  }
0x3e: {  	_ =	shalt  }
0x3f: {  	_ =	shalt  }
0x40: {  	_ =	shalt  }
0x41: {  	_ =	shalt  }
0x42: {  	_ =	shalt  }
0x43: {  	_ =	shalt  }
0x44: {  	_ =	shalt  }
0x45: {  	_ =	shalt  }
0x46: {  	_ =	shalt  }
0x47: {  	_ =	shalt  }
0x48: {  	_ =	shalt  }
0x49: {  	_ =	shalt  }
0x4a: {  	_ =	shalt  }
0x4b: {  	_ =	shalt  }
0x4c: {  	_ =	shalt  }
0x4d: {  	_ =	shalt  }
0x4e: {  	_ =	shalt  }
0x4f: {  	_ =	shalt  }
0x50: {  	_ =	shalt  }
0x51: {  	_ =	shalt  }
0x52: {  	_ =	shalt  }
0x53: {  	_ =	shalt  }
0x54: {  	_ =	shalt  }
0x55: {  	_ =	shalt  }
0x56: {  	_ =	shalt  }
0x57: {  	_ =	shalt  }
0x58: {  	_ =	shalt  }
0x59: {  	_ =	shalt  }
0x5a: {  	_ =	shalt  }
0x5b: {  	_ =	shalt  }
0x5c: {  	_ =	shalt  }
0x5d: {  	_ =	shalt  }
0x5e: {  	_ =	shalt  }
0x5f: {  	_ =	shalt  }
0x60: {  	_ =	shalt  }
0x61: {  	_ =	shalt  }
0x62: {  	_ =	shalt  }
0x63: {  	_ =	shalt  }
0x64: {  	_ =	shalt  }
0x65: {  	_ =	shalt  }
0x66: {  	_ =	shalt  }
0x67: {  	_ =	shalt  }
0x68: {  	_ =	shalt  }
0x69: {  	_ =	shalt  }
0x6a: {  	_ =	shalt  }
0x6b: {  	_ =	shalt  }
0x6c: {  	_ =	shalt  }
0x6d: {  	_ =	shalt  }
0x6e: {  	_ =	shalt  }
0x6f: {  	_ =	shalt  }
0x70: {  	_ =	shalt  }
0x71: {  	_ =	shalt  }
0x72: {  	_ =	shalt  }
0x73: {  	_ =	shalt  }
0x74: {  	_ =	shalt  }
0x75: {  	_ =	shalt  }
0x76: {  	_ =	shalt  }
0x77: {  	_ =	shalt  }
0x78: {  	_ =	shalt  }
0x79: {  	_ =	shalt  }
0x7a: {  	_ =	shalt  }
0x7b: {  	_ =	shalt  }
0x7c: {  	_ =	shalt  }
0x7d: {  	_ =	shalt  }
0x7e: {  	_ =	shalt  }
0x7f: {  	_ =	shalt  }
0x80: {  	_ =	shalt  }
0x81: {  	_ =	shalt  }
0x82: {  	_ =	shalt  }
0x83: {  	_ =	shalt  }
0x84: {  	_ =	shalt  }
0x85: {  	_ =	shalt  }
0x86: {  	_ =	shalt  }
0x87: {  	_ =	shalt  }
.Lfunc_end0:
.L_simem_size_0:
called_computation_lowered:
.L_overlay_start_0:
0x88: {  	s2 =	sld [smem:$0x3FD9]  }
0x89: {  	s3 =	sld [smem:$0x3FFE];
	_ =	sdelay $0x1  }
0x8a: {  	s1 =	srdreg.scid  }
0x8b: {  	s0 =	sand.u32 $0x1, s1  }
0x8c: {  	s15 =	sshll.u32 s0, $0xA;
	s2 =	sadd.s32 s3, s2  }
0x8d: {  	s2 =	sadd.s32 s2, s15  }
0x8e: {  	[smem:$0x3FC6] =	sst s2  }
0x8f: {  	_ = 	snop  }
0x90: {  	s2 =	sld [smem:$0x3FD0];
	_ =	sdelay $0x2  }
0x91: {  	s16 =	simm.s32 $0xA;
	s4 =	simm.s32 $0x10  }
0x92: {  	[smem:s4], [sflag:s16] =	dma.local [hbm:s2], $0x1  }
0x93: {  	_ =	swait.eq [sflag:s16], $0x1  }
0x94: {  	s17 =	sld [smem:$0x11];
	[sflag:s16] =	ssyncset.done $0x0  }
0x95: {  	s18 =	sld [smem:$0x12];
	[sflag:s16] =	ssyncadd.s32 $0xFFFFFFFF  }
0x96: {  	s19 =	sld [smem:$0x13];
	(tm) =	ssettm $0x1  }
0x97: {  	s5 =	sld [smem:$0x3FFB];
	_ =	sdelay $0x3  }
0x98: {  	_ =	strace s5  }
0x99: {  	s5 =	sld [smem:$0x3FFC];
	_ =	sdelay $0x3  }
0x9a: {  	_ =	strace s5  }
0x9b: {  	s5 =	sld [smem:$0x3FFD];
	_ =	sdelay $0x3  }
0x9c: {  	_ =	strace s5  }
0x9d: {  	_ =	strace $0x8FFFFFFF  }
0x9e: {  	s20 =	sld [smem:$0x3FDB];
	_ =	sdelay $0x1  }
0x9f: {  	s6 =	simm.s32 $_scs_section_size  }
0xa0: {  	s7 =	simm.s32 $_size__tile_overlayer_lowered;
	s8 =	simm.s32 $_tile_overlayer_lowered  }
0xa1: {  	s23 =	simm.s32 $0x1BFF;
	s22 =	sshll.u32 s8, $0x1;
	s5 =	sadd.s32 s6, s20  }
0xa2: {  	s9 =	simm.s32 $0x0;
	s21 =	sshll.u32 s7, $0x1;
	s7 =	sadd.s32 s22, s5  }
0xa3: {  	[timem:s9], [sflag:s23] =	dma.local [hbm:s7], s21  }
0xa4: {  	_ =	swait.ge [sflag:s23], s21  }
0xa5: {  	s6 =	ssub.s32 $0x0, s21;
	[sflag:s23] =	ssyncset.done $0x0  }
0xa6: {  	[sflag:s23] =	ssyncadd.s32 s6;
	_ =	sdelay $0x1  }
0xa7: {  	s24 =	simm.s32 $0x1B8B  }
0xa8: {  	_ =	swait.ge [sflag:s24], $0x1  }
0xa9: {  	[sflag:s24] =	ssyncset.done $0x0  }
0xaa: {  	s25 =	simm.s32 $0x1B8E;
	[sflag:s24] =	ssyncadd.s32 $0xFFFFFFFF  }
0xab: {  	s26 =	simm.s32 $execute0_lowered;
	[smem:$0x3FD2] =	sst s25  }
0xac: {  	s6 =	sshll.u32 s26, $0x1;
	_ =	strace $0x80000046;
	[dreg:$0x1] =	wrdreg $0xFFFFFFFF  }
0xad: {  	s28 =	simm.s32 $_size_execute0_lowered;
	s5 =	sadd.s32 s5, s6;
	[dreg:$0x0] =	wrdreg $0x0  }
0xae: {  	s6 =	sshll.u32 s28, $0x1;
	[dreg:$0x2] =	wrdreg s5  }
0xaf: {  	[dreg:$0x3] =	wrdreg s6  }
0xb0: {  	[dreg:$0x4] =	wrdreg $0xC0  }
0xb1: {  	_ =	task [dreg:s9], $0x5FFFF  }
0xb2: {  	[dreg:$0x1] =	wrdreg $0xFFFFFFFF  }
0xb3: {  	[dreg:$0x0] =	wrdreg $0x60  }
0xb4: {  	[dreg:$0x2] =	wrdreg s19  }
0xb5: {  	[dreg:$0x3] =	wrdreg s18  }
0xb6: {  	[dreg:$0x4] =	wrdreg s17  }
0xb7: {  	[dreg:$0x5] =	wrdreg $0x9  }
0xb8: {  	_ =	task.clear_ibuf [dreg:s9], $0x6FFFF;
	_ =	strace $0x90000046  }
0xb9: {  	s29 =	simm.s32 $0x9;
	_ =	strace $0x80000048  }
0xba: {  	_ =	swait.ge [sflag:s29], $0x1  }
0xbb: {  	[sflag:s29] =	ssyncadd.s32 $0xFFFFFFFF  }
0xbc: {  	_ =	strace $0x90000048  }
0xbd: {  	_ =	sfence  }
0xbe: {  	s30 =	sld [smem:$0x0];
	_ =	sdelay $0x2  }
0xbf: {  	s31 =	sshll.u32 s1, $0xD;
	s1 =	sshrl.u32 s1, $0x2  }
0xc0: {  	s3 =	sand.u32 $0x4000, s31;
	s1 =	sadd.s32 s1, s30  }
0xc1: {  	s0 =	sor.u32 s3, s0;
	s1 =	sshll.u32 s1, $0x11  }
0xc2: {  	s0 =	sor.u32 s1, s0  }
0xc3: {  	s0 =	sadd.s32 $0x8F2B, s0  }
0xc4: {  	[sflag:s0] =	ssyncadd.remote.s32 $0x1  }
0xc5: {  	_ =	sfence.sel $0xFFFF  }
0xc6: {  	[dreg:$0x0] =	wrdreg $0xFFFFFFFF;
	(pc) =	sbr.abs _section_cstart, $3  }
0xc7: {  	[dreg:$0x1] =	wrdreg $0xFFFFFFFF  }
0xc8: {  	_ =	task.clear_ibuf [dreg:s9], $0x2FFFF;
	_ =	strace $0x9FFFFFFF  }
0xc9: {  	(tm) =	ssettm $0x7FFFFFFF  }
tec
execute0_lowered:
.L_overlay_start_1:
0x0: {  	(tag) =	ssettag $0x1  }
0x1: {  	s1 =	rddreg [dreg:$0x0];
	s2 =	srdreg.scid  }
0x2: {  	s4 =	rddreg [dreg:$0x1];
	s0 =	stileid.u32;
	s14 =	sand.u32 $0x1, s2  }
0x3: {  	s15 =	rddreg [dreg:$0x2];
	s5 =	sshll.u32 s0, $0x3;
	s6 =	sshll.u32 s14, $0x2  }
0x4: {  	s3 =	simm.s32 $0x0;
	s2 =	rddreg [dreg:$0x3];
	s16 =	sor.u32 s6, s5  }
0x5: {  	[smem:$0x7FF] =	sst s3;
	s5 =	sshll.u32 s16, $0x4  }
0x6: {  	_ =	strace $0x80000047;
	s5 =	sadd.s32 s4, s5;
	s4 =	simm.s32 $0x2  }
0x7: {  	[tilespmem:s3], [sflag:$0x2] =	stream.linear.gather [hbm4b:s5+s3], $0x200, $0x38;
	[tilespmem:$0x4200] =	vst v63  }
0x8: {  	_ =	swait.ge [sflag:s4], $0x200  }
0x9: {  	[sflag:s4] =	ssyncset.done $0x0  }
0xa: {  	s7 =	simm.s32 $0x200;
	s6 =	simm.s32 $0x80;
	[sflag:s4] =	ssyncadd.s32 $0xFFFFFE00  }
0xb: {  	[tilespmem:s7], [sflag:$0x1] =	stream.indirect.gather [hbm4b:s1+s6], $0x20, s3, s6, $0xb8;
	[tilespmem:$0x4200] =	vst v63  }
0xc: {  	s8 =	simm.s32 $0x1200  }
0xd: {  	[tilespmem:s8], [sflag:$0x1] =	stream.indirect.gather [hbm4b:s1+s6], $0x20, s6, s6, $0xb8;
	[tilespmem:$0x4200] =	vst v63  }
0xe: {  	s9 =	simm.s32 $0x100;
	s10 =	simm.s32 $0x2200  }
0xf: {  	[tilespmem:s10], [sflag:$0x1] =	stream.indirect.gather [hbm4b:s1+s6], $0x20, s9, s6, $0xb8;
	[tilespmem:$0x4200] =	vst v63  }
0x10: {  	s11 =	simm.s32 $0x180;
	s12 =	simm.s32 $0x3200;
	s13 =	simm.s32 $0x1  }
0x11: {  	[tilespmem:s12], [sflag:$0x1] =	stream.indirect.gather [hbm4b:s1+s6], $0x20, s11, s6, $0xb8;
	[tilespmem:$0x4200] =	vst v63  }
0x12: {  	_ =	swait.ge [sflag:s13], $0x1000  }
0x13: {  	[sflag:s13] =	ssyncset.done $0x0  }
0x14: {  	[sflag:s13] =	ssyncadd.s32 $0xFFFFF000  }
0x15: {  	_ =	swait.ge [sflag:s13], $0x1000  }
0x16: {  	[sflag:s13] =	ssyncset.done $0x0  }
0x17: {  	s14 =	ssub.s32 $0x2, s14;
	[sflag:s13] =	ssyncadd.s32 $0xFFFFF000  }
0x18: {  	s17 =	sshrl.u32 s14, $0x1;
	_ =	swait.ge [sflag:s13], $0x1000  }
0x19: {  	s17 =	ssub.s32 s14, s17;
	[sflag:s13] =	ssyncset.done $0x0  }
0x1a: {  	s31 =	smax.u32 s17, $0x1;
	[sflag:s13] =	ssyncadd.s32 $0xFFFFF000  }
0x1b: {  	p0 =	sne.s32 s31, $0x1;
	_ =	swait.ge [sflag:s13], $0x1000  }
.Ltmp0:
0x1c: {  	s30 =	sshll.u32 s16, $0x9;
	[sflag:s13] =	ssyncset.done $0x0;
	(pc) =	sbr.rel @!p0 .LBB2_2-.Ltmp0, $4  }
0x1d: {  	s14 =	sadd.s32 s15, s30;
	[sflag:s13] =	ssyncadd.s32 $0xFFFFF000  }
0x1e: {  	[hbm4b:s14+s3] =	stream.linear.scatter [tilespmem:s7], [sflag:$0x2], $0x4000, $0x38;
	[tilespmem:$0x4200] =	vst v63  }
0x1f: {  	_ =	swait.ge [sflag:s4], $0x4000  }
0x20: {  	s15 =	sadd.s32 $0xFFFFFFFF, s31;
	[sflag:s4] =	ssyncset.done $0x0  }
.LBB2_1:
0x21: {  	p0 =	sne.s32 s15, $0x1;
	s15 =	sadd.s32 $0xFFFFFFFF, s15;
	[sflag:s4] =	ssyncadd.s32 $0xFFFFC000  }
0x22: {  	[tilespmem:s3], [sflag:$0x2] =	stream.linear.gather [hbm4b:s5+s3], $0x200, $0x38;
	[tilespmem:$0x4200] =	vst v63  }
0x23: {  	_ =	swait.ge [sflag:s4], $0x200  }
0x24: {  	[sflag:s4] =	ssyncset.done $0x0  }
0x25: {  	[sflag:s4] =	ssyncadd.s32 $0xFFFFFE00  }
0x26: {  	[tilespmem:s7], [sflag:$0x1] =	stream.indirect.gather [hbm4b:s1+s6], $0x20, s3, s6, $0xb8;
	[tilespmem:$0x4200] =	vst v63  }
0x27: {  	_ = 	snop  }
0x28: {  	[tilespmem:s8], [sflag:$0x1] =	stream.indirect.gather [hbm4b:s1+s6], $0x20, s6, s6, $0xb8;
	[tilespmem:$0x4200] =	vst v63  }
0x29: {  	_ = 	snop  }
0x2a: {  	[tilespmem:s10], [sflag:$0x1] =	stream.indirect.gather [hbm4b:s1+s6], $0x20, s9, s6, $0xb8;
	[tilespmem:$0x4200] =	vst v63  }
0x2b: {  	_ = 	snop  }
0x2c: {  	[tilespmem:s12], [sflag:$0x1] =	stream.indirect.gather [hbm4b:s1+s6], $0x20, s11, s6, $0xb8;
	[tilespmem:$0x4200] =	vst v63  }
0x2d: {  	_ =	swait.ge [sflag:s13], $0x1000  }
0x2e: {  	[sflag:s13] =	ssyncset.done $0x0  }
0x2f: {  	[sflag:s13] =	ssyncadd.s32 $0xFFFFF000  }
0x30: {  	_ =	swait.ge [sflag:s13], $0x1000  }
0x31: {  	[sflag:s13] =	ssyncset.done $0x0  }
0x32: {  	[sflag:s13] =	ssyncadd.s32 $0xFFFFF000  }
0x33: {  	_ =	swait.ge [sflag:s13], $0x1000  }
0x34: {  	[sflag:s13] =	ssyncset.done $0x0  }
0x35: {  	[sflag:s13] =	ssyncadd.s32 $0xFFFFF000  }
0x36: {  	_ =	swait.ge [sflag:s13], $0x1000  }
.Ltmp1:
0x37: {  	[sflag:s13] =	ssyncset.done $0x0;
	(pc) =	sbr.rel @p0 .LBB2_1-.Ltmp1, $4  }
0x38: {  	[sflag:s13] =	ssyncadd.s32 $0xFFFFF000  }
0x39: {  	[hbm4b:s14+s3] =	stream.linear.scatter [tilespmem:s7], [sflag:$0x2], $0x4000, $0x38;
	[tilespmem:$0x4200] =	vst v63  }
0x3a: {  	_ =	swait.ge [sflag:s4], $0x4000  }
0x3b: {  	[sflag:s4] =	ssyncset.done $0x0  }
.LBB2_2:
0x3c: {  	[sflag:s4] =	ssyncadd.s32 $0xFFFFC000  }
0x3d: {  	_ =	sfence.sel $0x180000  }
0x3e: {  	[bflag:$0x0] =	sbarrier.arrive $0xFFFF  }
0x3f: {  	p0 =	sne.s32 s0, $0x0;
	_ =	strace $0x90000047  }
0x40: {  	s0 =	sadd.s32 @!p0 $0x100000, s2;
	[bflag:$0x2] =	sbarrier.arrive $0xFFFF  }
0x41: {  	[sflag:s0] =	ssyncadd.tile.s32 @!p0 $0x1;
	_ =	shalt  }
.Lfunc_end2:
_tile_overlayer_lowered:
.L_overlay_start_2:
0x42: {  	(tag) =	ssettag $0x2  }
0x43: {  	s0 =	rddreg [dreg:$0x0];
	s2 =	stileid.u32  }
0x44: {  	s1 =	rddreg [dreg:$0x1];
	p0 =	sne.s32 s2, $0x0  }
0x45: {  	s3 =	rddreg [dreg:$0x2];
	[bflag:$0x3] =	sbarrier.arrive $0xFFFF;
	s2 =	simm.s32 @!p0 $0x1C02  }
0x46: {  	[timem:s3], [sflag:s2] =	dma.local @!p0 [hbm:s0], s1  }
0x47: {  	s0 =	simm.s32 @!p0 $0x2  }
0x48: {  	_ =	swait.ge @!p0 [sflag:s0], s1  }
0x49: {  	s1 =	ssub.s32 @!p0 $0x0, s1;
	[sflag:s0] =	ssyncset.done @!p0 $0x0  }
0x4a: {  	[sflag:s0] =	ssyncadd.s32 @!p0 s1  }
0x4b: {  	[bflag:$0x3] =	sbarrier.arrive $0xFFFF  }
0x4c: {  	_ =	shalt  }

</sc_bundles>
